<compile_context>
chip_gen: v7x
topology: tpu7x:2x2x1
jax: 0.10.2.dev20260603
libtpu: 0.0.44.dev20260713+nightly
codegen_flags: <defaults>
</compile_context>

<pallas_src>
import jax
import jax.numpy as jnp
from jax import lax
from jax.experimental import pallas as pl
from jax.experimental.pallas import tpu as pltpu
from jax.experimental.pallas import tpu_sc as plsc

F32 = jnp.float32

N = 10000
E = 320000
D = 128
B = 16

BLK_E = 2560
BLK_N = 2000
NBN = N // BLK_N

NC = 2
NS = 16
NW = NC * NS
CHUNK = 400
SUB = 80
NSUB = CHUNK // SUB
WB = 624
TAIL = N - NS * WB
CHUNK_S = 80
NB_S = 4


def _dot(a, b):
    return jnp.dot(a, b, preferred_element_type=F32)


def _dot_t(a, b):
    return lax.dot_general(a, b, (((0,), (0,)), ((), ())),
                           preferred_element_type=F32)


def _fill(ref, nrows, value):
    def zbody(r, _):
        for c in range(D // 16):
            ref[r, pl.ds(c * 16, 16)] = jnp.full((16,), value, F32)
        return 0
    lax.fori_loop(0, nrows, zbody, 0)


def _zero_acc_slice(zbuf, nb, acc, sid):
    off = 0
    while off < WB:
        span = min(nb, WB - off)
        pltpu.sync_copy(zbuf.at[pl.ds(0, span)],
                        acc.at[pl.ds(sid * WB + off, span)])
        off += span

    @pl.when(sid == NS - 1)
    def _():
        pltpu.sync_copy(zbuf.at[pl.ds(0, TAIL)], acc.at[pl.ds(NS * WB, TAIL)])


def _acc_writeback(acc, out, cid, sid):
    pltpu.sync_copy(acc.at[pl.ds(sid * WB, WB)],
                    out.at[cid, pl.ds(sid * WB, WB)])

    @pl.when(sid == NS - 1)
    def _():
        pltpu.sync_copy(acc.at[pl.ds(NS * WB, TAIL)],
                        out.at[cid, pl.ds(NS * WB, TAIL)])


def _pre_body(x_ref, bh_ref, u_ref, w1s_ref, w1d_ref, w1u_ref, b1_ref,
              xs2_ref, xd_ref):
    uu = _dot(u_ref[...], w1u_ref[...]) + b1_ref[...]
    xs2_ref[...] = _dot(x_ref[...], w1s_ref[...]) + _dot(bh_ref[...], uu)
    xd_ref[...] = _dot(x_ref[...], w1d_ref[...])


@jax.jit
def _tc_pre(x, bh, u, w1s, w1d, w1u, b1):
    return pl.pallas_call(
        _pre_body,
        grid=(NBN,),
        in_specs=[
            pl.BlockSpec((BLK_N, D), lambda i: (i, 0)),
            pl.BlockSpec((BLK_N, B), lambda i: (i, 0)),
            pl.BlockSpec((B, D), lambda i: (0, 0)),
            pl.BlockSpec((D, D), lambda i: (0, 0)),
            pl.BlockSpec((D, D), lambda i: (0, 0)),
            pl.BlockSpec((D, D), lambda i: (0, 0)),
            pl.BlockSpec((1, D), lambda i: (0, 0)),
        ],
        out_specs=[
            pl.BlockSpec((BLK_N, D), lambda i: (i, 0)),
            pl.BlockSpec((BLK_N, D), lambda i: (i, 0)),
        ],
        out_shape=[
            jax.ShapeDtypeStruct((N, D), F32),
            jax.ShapeDtypeStruct((N, D), F32),
        ],
    )(x, bh, u, w1s, w1d, w1u, b1)


GCH = 80
GNB = 5
GROUNDS = (E // NW) // GCH // GNB


def _sc_gather_body(xs2, xd, row, col, gs, *scr):
    idxr = scr[0:GNB]
    idxc = scr[GNB:2 * GNB]
    buf = scr[2 * GNB:3 * GNB]
    gsem = scr[3 * GNB:4 * GNB]
    asem = scr[4 * GNB:5 * GNB]
    wsem = scr[5 * GNB:6 * GNB]
    isem = scr[6 * GNB:7 * GNB]
    wid = lax.axis_index("c") * NS + lax.axis_index("s")
    base = wid * (E // NW)

    def off_of(i):
        return pl.multiple_of(base + i * GCH, 8)

    def fire_idx(b, i):
        off = off_of(i)
        pltpu.async_copy(row.at[pl.ds(off, GCH)], idxr[b], isem[b])
        pltpu.async_copy(col.at[pl.ds(off, GCH)], idxc[b], isem[b])

    def wait_idx(b):
        pltpu.make_async_copy(row.at[pl.ds(base, GCH)], idxr[b],
                              isem[b]).wait()
        pltpu.make_async_copy(col.at[pl.ds(base, GCH)], idxc[b],
                              isem[b]).wait()

    def fire_g1(b):
        pltpu.async_copy(xs2.at[idxr[b]], buf[b], gsem[b])

    def wait_g1(b):
        pltpu.make_async_copy(xs2.at[idxr[b]], buf[b], gsem[b]).wait()

    def fire_g2(b):
        pltpu.async_copy(xd.at[idxc[b]], buf[b], asem[b], add=True)

    def wait_g2(b):
        pltpu.make_async_copy(xd.at[idxc[b]], buf[b], asem[b]).wait()

    def fire_write(b, i):
        pltpu.async_copy(buf[b], gs.at[pl.ds(off_of(i), GCH)], wsem[b])

    def wait_write(b):
        pltpu.make_async_copy(buf[b], gs.at[pl.ds(base, GCH)],
                              wsem[b]).wait()

    for b in range(GNB):
        fire_idx(b, b)
    for b in range(GNB):
        wait_idx(b)
        fire_g1(b)
    for b in range(GNB):
        wait_g1(b)
        fire_g2(b)

    def round_body(j, _):
        not_last = j < GROUNDS - 1
        for b in range(GNB):
            i = j * GNB + b
            wait_g2(b)
            fire_write(b, i)

            @pl.when(not_last)
            def _(b=b, i=i):
                fire_idx(b, i + GNB)
        for b in range(GNB):
            @pl.when(not_last)
            def _(b=b):
                wait_write(b)
                wait_idx(b)
                fire_g1(b)
        for b in range(GNB):
            @pl.when(not_last)
            def _(b=b):
                wait_g1(b)
                fire_g2(b)
        return 0

    lax.fori_loop(0, GROUNDS, round_body, 0)
    for b in range(GNB):
        wait_write(b)


@jax.jit
def _sc_gather(xs2, xd, row, col):
    scratch = (
        [pltpu.VMEM((GCH,), jnp.int32) for _ in range(2 * GNB)]
        + [pltpu.VMEM((GCH, D), F32) for _ in range(GNB)]
        + [pltpu.SemaphoreType.DMA for _ in range(4 * GNB)]
    )
    f = pl.kernel(
        _sc_gather_body,
        mesh=plsc.VectorSubcoreMesh(core_axis_name="c", subcore_axis_name="s"),
        out_type=[jax.ShapeDtypeStruct((E, D), F32)],
        scratch_types=scratch,
    )
    return f(xs2, xd, row, col)[0]


def _edge_body(gs_ref, ea_ref,
               w1e_ref, w2_ref, b2_ref, w3_ref, b3_ref,
               er_ref, eo_ref):
    ea = ea_ref[...]
    h1 = jnp.maximum(gs_ref[...] + _dot(ea, w1e_ref[...]), 0.0)
    h2 = jnp.maximum(_dot(h1, w2_ref[...]) + b2_ref[...], 0.0)
    er = _dot(h2, w3_ref[...]) + b3_ref[...]
    er_ref[...] = er
    eo_ref[...] = ea + er


@jax.jit
def _tc_edge(gs, ea, w1e, w2, b2, w3, b3):
    return pl.pallas_call(
        _edge_body,
        grid=(E // BLK_E,),
        in_specs=[
            pl.BlockSpec((BLK_E, D), lambda i: (i, 0)),
            pl.BlockSpec((BLK_E, D), lambda i: (i, 0)),
            pl.BlockSpec((D, D), lambda i: (0, 0)),
            pl.BlockSpec((D, D), lambda i: (0, 0)),
            pl.BlockSpec((1, D), lambda i: (0, 0)),
            pl.BlockSpec((D, D), lambda i: (0, 0)),
            pl.BlockSpec((1, D), lambda i: (0, 0)),
        ],
        out_specs=[
            pl.BlockSpec((BLK_E, D), lambda i: (i, 0)),
            pl.BlockSpec((BLK_E, D), lambda i: (i, 0)),
        ],
        out_shape=[
            jax.ShapeDtypeStruct((E, D), F32),
            jax.ShapeDtypeStruct((E, D), F32),
        ],
    )(gs, ea, w1e, w2, b2, w3, b3)


def _sc_scatter_body(er, rc, out, *scr):
    idx = scr[0:NB_S]
    ebuf = scr[NB_S:2 * NB_S]
    esem = scr[2 * NB_S:3 * NB_S]
    isem = scr[3 * NB_S:4 * NB_S]
    ssem = scr[4 * NB_S:5 * NB_S]
    acc = scr[-1]
    cid = lax.axis_index("c")
    sid = lax.axis_index("s")
    base = sid * (E // NS)
    nit = (E // NS) // CHUNK_S
    nring = nit - 2

    _fill(ebuf[0], CHUNK_S, 0.0)
    _zero_acc_slice(ebuf[0], CHUNK_S, acc, sid)
    plsc.subcore_barrier()

    def off_of(i):
        return pl.multiple_of(base + i * CHUNK_S, 8)

    def fire_er(b, i):
        pltpu.async_copy(er.at[pl.ds(off_of(i), CHUNK_S)], ebuf[b], esem[b])

    def wait_er(b):
        pltpu.make_async_copy(er.at[pl.ds(base, CHUNK_S)], ebuf[b],
                              esem[b]).wait()

    def fire_idx(b, i):
        ioff = pl.multiple_of(cid * E + off_of(i), 8)
        pltpu.async_copy(rc.at[pl.ds(ioff, CHUNK_S)], idx[b], isem[b])

    def wait_idx(b):
        pltpu.make_async_copy(rc.at[pl.ds(base, CHUNK_S)], idx[b],
                              isem[b]).wait()

    def fire_sc(b):
        pltpu.async_copy(ebuf[b], acc.at[idx[b]], ssem[b], add=True)

    def wait_sc(b):
        pltpu.make_async_copy(ebuf[b], acc.at[idx[b]], ssem[b]).wait()

    for b in range(NB_S):
        fire_er(b, b)
        fire_idx(b, b)

    def round_body(j, _):
        for b in range(NB_S):
            wait_er(b)
            wait_idx(b)
            fire_sc(b)
        for b in range(NB_S):
            i_next = j * NB_S + b + NB_S

            @pl.when(i_next < nring)
            def _(b=b, i_next=i_next):
                wait_sc(b)
                fire_er(b, i_next)
                fire_idx(b, i_next)
        return 0

    lax.fori_loop(0, nring // NB_S, round_body, 0)
    for b in range(NB_S):
        wait_sc(b)

    for i in range(nit - 2, nit):
        pltpu.sync_copy(er.at[pl.ds(off_of(i), CHUNK_S)], ebuf[0])
        ioff = pl.multiple_of(cid * E + off_of(i), 8)
        pltpu.sync_copy(rc.at[pl.ds(ioff, CHUNK_S)], idx[0])
        pltpu.sync_copy(ebuf[0], acc.at[idx[0]], add=True)

    plsc.subcore_barrier()
    _acc_writeback(acc, out, cid, sid)


@jax.jit
def _sc_scatter(er, rc):
    scratch = (
        [pltpu.VMEM((CHUNK_S,), jnp.int32) for _ in range(NB_S)]
        + [pltpu.VMEM((CHUNK_S, D), F32) for _ in range(NB_S)]
        + [pltpu.SemaphoreType.DMA for _ in range(3 * NB_S)]
        + [pltpu.VMEM_SHARED((N, D), F32)]
    )
    f = pl.kernel(
        _sc_scatter_body,
        mesh=plsc.VectorSubcoreMesh(core_axis_name="c", subcore_axis_name="s"),
        out_type=[jax.ShapeDtypeStruct((NC, N, D), F32)],
        scratch_types=scratch,
    )
    return f(er, rc)[0]


NB_H = 4


def _sc_hist_body(row, out, *scr):
    idx = scr[0:NB_H]
    obuf = scr[NB_H]
    isem = scr[NB_H + 1:2 * NB_H + 1]
    ssem = scr[2 * NB_H + 1:3 * NB_H + 1]
    acc = scr[-1]
    cid = lax.axis_index("c")
    sid = lax.axis_index("s")
    base = (cid * NS + sid) * (E // NW)
    nit = (E // NW) // SUB
    nring = nit - 1

    _fill(obuf, SUB, 0.0)
    _zero_acc_slice(obuf, SUB, acc, sid)
    plsc.subcore_barrier()
    _fill(obuf, SUB, 1.0)

    def off_of(i):
        return pl.multiple_of(base + i * SUB, 8)

    def fire_idx(b, i):
        pltpu.async_copy(row.at[pl.ds(off_of(i), SUB)], idx[b], isem[b])

    def wait_idx(b):
        pltpu.make_async_copy(row.at[pl.ds(base, SUB)], idx[b],
                              isem[b]).wait()

    def fire_sc(b):
        pltpu.async_copy(obuf, acc.at[idx[b]], ssem[b], add=True)

    def wait_sc(b):
        pltpu.make_async_copy(obuf, acc.at[idx[b]], ssem[b]).wait()

    for b in range(NB_H):
        fire_idx(b, b)

    def round_body(j, _):
        for b in range(NB_H):
            wait_idx(b)
            fire_sc(b)
        for b in range(NB_H):
            i_next = j * NB_H + b + NB_H

            @pl.when(i_next < nring)
            def _(b=b, i_next=i_next):
                wait_sc(b)
                fire_idx(b, i_next)
        return 0

    lax.fori_loop(0, nring // NB_H, round_body, 0)
    for b in range(NB_H):
        wait_sc(b)

    i = nit - 1
    pltpu.sync_copy(row.at[pl.ds(off_of(i), SUB)], idx[0])
    pltpu.sync_copy(obuf, acc.at[idx[0]], add=True)

    plsc.subcore_barrier()
    _acc_writeback(acc, out, cid, sid)


@jax.jit
def _sc_hist(row):
    scratch = (
        [pltpu.VMEM((SUB,), jnp.int32) for _ in range(NB_H)]
        + [pltpu.VMEM((SUB, D), F32)]
        + [pltpu.SemaphoreType.DMA for _ in range(2 * NB_H)]
        + [pltpu.VMEM_SHARED((N, D), F32)]
    )
    f = pl.kernel(
        _sc_hist_body,
        mesh=plsc.VectorSubcoreMesh(core_axis_name="c", subcore_axis_name="s"),
        out_type=[jax.ShapeDtypeStruct((NC, N, D), F32)],
        scratch_types=scratch,
    )
    return f(row)[0]


def _counts_body(bh_ref, od0_ref, od1_ref, ncnt_ref, ecnt_ref):
    @pl.when(pl.program_id(0) == 0)
    def _():
        ncnt_ref[...] = jnp.zeros_like(ncnt_ref)
        ecnt_ref[...] = jnp.zeros_like(ecnt_ref)

    bh = bh_ref[...]
    ncnt_ref[...] += _dot_t(bh, jnp.ones((BLK_N, D), F32))
    ecnt_ref[...] += _dot_t(bh, od0_ref[...] + od1_ref[...])


@jax.jit
def _tc_counts(bh, odf):
    return pl.pallas_call(
        _counts_body,
        grid=(NBN,),
        in_specs=[
            pl.BlockSpec((BLK_N, B), lambda i: (i, 0)),
            pl.BlockSpec((BLK_N, D), lambda i: (i, 0)),
            pl.BlockSpec((BLK_N, D), lambda i: (i + NBN, 0)),
        ],
        out_specs=[
            pl.BlockSpec((B, D), lambda i: (0, 0)),
            pl.BlockSpec((B, D), lambda i: (0, 0)),
        ],
        out_shape=[
            jax.ShapeDtypeStruct((B, D), F32),
            jax.ShapeDtypeStruct((B, D), F32),
        ],
    )(bh, odf, odf)


def _node_body(x_ref, agg_ref, rs_ref, bh_ref, u_ref,
               v1x_ref, v1a_ref, v1u_ref, c1_ref,
               v2_ref, c2_ref, v3_ref, c3_ref,
               xo_ref, nsum_ref, esum_ref):
    @pl.when(pl.program_id(0) == 0)
    def _():
        nsum_ref[...] = jnp.zeros_like(nsum_ref)
        esum_ref[...] = jnp.zeros_like(esum_ref)

    x = x_ref[...]
    bh = bh_ref[...]
    ub = _dot(u_ref[...], v1u_ref[...]) + c1_ref[...]
    h1 = jnp.maximum(_dot(x, v1x_ref[...]) + _dot(agg_ref[...], v1a_ref[...])
                     + _dot(bh, ub), 0.0)
    h2 = jnp.maximum(_dot(h1, v2_ref[...]) + c2_ref[...], 0.0)
    xr = _dot(h2, v3_ref[...]) + c3_ref[...]
    xo_ref[...] = x + xr
    nsum_ref[...] += _dot_t(bh, xr)
    esum_ref[...] += _dot_t(bh, rs_ref[...])


@jax.jit
def _tc_node(x, aggf, bh, u, v1x, v1a, v1u, c1, v2, c2, v3, c3):
    return pl.pallas_call(
        _node_body,
        grid=(NBN,),
        in_specs=[
            pl.BlockSpec((BLK_N, D), lambda i: (i, 0)),
            pl.BlockSpec((BLK_N, D), lambda i: (i, 0)),
            pl.BlockSpec((BLK_N, D), lambda i: (i + NBN, 0)),
            pl.BlockSpec((BLK_N, B), lambda i: (i, 0)),
            pl.BlockSpec((B, D), lambda i: (0, 0)),
            pl.BlockSpec((D, D), lambda i: (0, 0)),
            pl.BlockSpec((D, D), lambda i: (0, 0)),
            pl.BlockSpec((D, D), lambda i: (0, 0)),
            pl.BlockSpec((1, D), lambda i: (0, 0)),
            pl.BlockSpec((D, D), lambda i: (0, 0)),
            pl.BlockSpec((1, D), lambda i: (0, 0)),
            pl.BlockSpec((D, D), lambda i: (0, 0)),
            pl.BlockSpec((1, D), lambda i: (0, 0)),
        ],
        out_specs=[
            pl.BlockSpec((BLK_N, D), lambda i: (i, 0)),
            pl.BlockSpec((B, D), lambda i: (0, 0)),
            pl.BlockSpec((B, D), lambda i: (0, 0)),
        ],
        out_shape=[
            jax.ShapeDtypeStruct((N, D), F32),
            jax.ShapeDtypeStruct((B, D), F32),
            jax.ShapeDtypeStruct((B, D), F32),
        ],
    )(x, aggf, aggf, bh, u, v1x, v1a, v1u, c1, v2, c2, v3, c3)


def _glob_body(u_ref, nsum_ref, ncnt_ref, esum_ref, ecnt_ref,
               g1u_ref, g1n_ref, g1e_ref, g1b_ref,
               g2_ref, g2b_ref, g3_ref, g3b_ref, uo_ref):
    u = u_ref[...]
    nm = nsum_ref[...] / jnp.maximum(ncnt_ref[...], 1.0)
    em = esum_ref[...] / jnp.maximum(ecnt_ref[...], 1.0)
    h1 = jnp.maximum(_dot(u, g1u_ref[...]) + _dot(nm, g1n_ref[...])
                     + _dot(em, g1e_ref[...]) + g1b_ref[...], 0.0)
    h2 = jnp.maximum(_dot(h1, g2_ref[...]) + g2b_ref[...], 0.0)
    uo_ref[...] = u + _dot(h2, g3_ref[...]) + g3b_ref[...]


@jax.jit
def _tc_glob(u, nsum, ncnt, esum, ecnt, g1u, g1n, g1e, g1b, g2, g2b, g3, g3b):
    return pl.pallas_call(
        _glob_body,
        out_shape=jax.ShapeDtypeStruct((B, D), F32),
    )(u, nsum, ncnt, esum, ecnt, g1u, g1n, g1e, g1b, g2, g2b, g3, g3b)


def kernel(x, edge_index, edge_attr, u, batch, params):
    if u.ndim == 1:
        u = u[None]
    row = edge_index[0]
    col = edge_index[1]
    rc = jnp.concatenate([col, row])
    bh = (batch[:, None] == jnp.arange(B, dtype=batch.dtype)[None, :]
          ).astype(F32)

    odeg = _sc_hist(row)
    ncnt, ecnt = _tc_counts(bh, odeg.reshape(NC * N, D))

    for p in params:
        (w1, b1), (w2, b2), (w3, b3) = p['edge']
        (v1, c1), (v2, c2), (v3, c3) = p['node']
        (g1, g1b), (g2, g2b), (g3, g3b) = p['glob']
        w1s, w1d, w1e, w1u = w1[:D], w1[D:2 * D], w1[2 * D:3 * D], w1[3 * D:]
        v1x, v1a, v1u = v1[:D], v1[D:2 * D], v1[2 * D:]
        g1u, g1n, g1e = g1[:D], g1[D:2 * D], g1[2 * D:]

        xs2, xd = _tc_pre(x, bh, u, w1s, w1d, w1u, b1[None])
        gs = _sc_gather(xs2, xd, row, col)
        er, eo = _tc_edge(gs, edge_attr, w1e, w2, b2[None], w3, b3[None])
        aggrs = _sc_scatter(er, rc)
        xo, nsum, esum = _tc_node(x, aggrs.reshape(NC * N, D), bh, u,
                                  v1x, v1a, v1u, c1[None],
                                  v2, c2[None], v3, c3[None])
        uo = _tc_glob(u, nsum, ncnt, esum, ecnt, g1u, g1n, g1e, g1b[None],
                      g2, g2b[None], g3, g3b[None])
        x, edge_attr, u = xo, eo, uo

    return x, edge_attr, u

# --- scband reference (transcript-rebuilt; emitter-appended) ---
"""Pipeline reference for scband-gnn-51677046505772 (READ-ONLY COPY).

The authoritative reference and input builder live on the scoring server;
editing this copy changes nothing except your own understanding.
"""

import jax, jax.numpy as jnp
import numpy as np

N = 10000
E = 320000
D = 128
B = 16
LAYERS = 2


def _mlp_params(key, sizes):
    ps = []
    for i in range(len(sizes) - 1):
        key, k1, k2 = jax.random.split(key, 3)
        W = jax.random.normal(k1, (sizes[i], sizes[i + 1]), jnp.float32) * (1.0 / np.sqrt(sizes[i]))
        b = jax.random.normal(k2, (sizes[i + 1],), jnp.float32) * 0.01
        ps.append((W, b))
    return ps


def setup_inputs(seed: int = 0):
    key = jax.random.key(seed)
    ks = jax.random.split(key, 6)
    x = jax.random.normal(ks[0], (N, D), jnp.float32)
    edge_index = jax.random.randint(ks[1], (2, E), 0, N, dtype=jnp.int32)
    edge_attr = jax.random.normal(ks[2], (E, D), jnp.float32)
    u = jax.random.normal(ks[3], (B, D), jnp.float32)
    batch = jnp.sort(jax.random.randint(ks[4], (N,), 0, B, dtype=jnp.int32))
    params = []
    for l in range(LAYERS):
        kk = jax.random.fold_in(key, 100 + l)
        ka, kb, kc = jax.random.split(kk, 3)
        params.append({
            'edge': _mlp_params(ka, [4 * D, 128, 128, 128]),
            'node': _mlp_params(kb, [3 * D, 128, 128, 128]),
            'glob': _mlp_params(kc, [3 * D, 128, 128, 128]),
        })
    return {'x': x, 'edge_index': edge_index, 'edge_attr': edge_attr, 'u': u, 'batch': batch, 'params': params}


def _mlp(ps, h):
    for W, b in ps[:-1]:
        h = jax.nn.relu(h @ W + b)
    W, b = ps[-1]
    return h @ W + b


def _segment_mean(data, seg, num):
    s = jax.ops.segment_sum(data, seg, num_segments=num)
    c = jax.ops.segment_sum(jnp.ones((data.shape[0],), data.dtype), seg, num_segments=num)
    return s / jnp.clip(c, 1.0)[:, None]


def _gn_block(p, x, edge_index, edge_attr, u, batch):
    row, col = edge_index[0], edge_index[1]
    # EdgeModel: cat[src, dest, edge_attr, u[batch[row]]]
    e_in = jnp.concatenate([x[row], x[col], edge_attr, u[batch[row]]], axis=1)
    edge_attr_new = _mlp(p['edge'], e_in)
    # NodeModel: scatter_add edge_attr over dst, cat[x, agg, u[batch]]
    agg = jax.ops.segment_sum(edge_attr_new, col, num_segments=x.shape[0])
    n_in = jnp.concatenate([x, agg, u[batch]], axis=1)
    x_new = _mlp(p['node'], n_in)
    # GlobalModel: scatter_mean of x over batch, scatter_mean of edge_attr over batch[row]
    node_mean = _segment_mean(x_new, batch, u.shape[0])
    edge_mean = _segment_mean(edge_attr_new, batch[row], u.shape[0])
    g_in = jnp.concatenate([u, node_mean, edge_mean], axis=1)
    u_new = _mlp(p['glob'], g_in)
    return x_new, edge_attr_new, u_new


def reference(x, edge_index, edge_attr, u, batch, params):
    if u.ndim == 1:
        u = u[None]
    x_new, edge_attr_new, u_new = x, edge_attr, u
    for p in params:
        x_res, e_res, u_res = _gn_block(p, x_new, edge_index, edge_attr_new, u_new, batch)
        x_new = x_new + x_res
        edge_attr_new = edge_attr_new + e_res
        u_new = u_new + u_res
    return x_new, edge_attr_new, u_new

if __name__ == "__main__":
    import jax
    _d = setup_inputs()
    print(jax.jit(kernel)(*tuple(_d.values())))

</pallas_src>

<mosaic_0001>
#map = affine_map<(d0, d1) -> (0)>
#map1 = affine_map<(d0, d1) -> (0, 0, 0)>
module attributes {stable_mosaic.version = 14 : i64} {
  func.func @_sc_hist_body(%arg0: i32, %arg1: i32, %arg2: memref<320000xi32, #tpu.memory_space<hbm>>, %arg3: memref<2x10000x128xf32, #tpu.memory_space<hbm>>, %arg4: memref<80xi32, #tpu.memory_space<vmem>>, %arg5: memref<80xi32, #tpu.memory_space<vmem>>, %arg6: memref<80xi32, #tpu.memory_space<vmem>>, %arg7: memref<80xi32, #tpu.memory_space<vmem>>, %arg8: memref<80x128xf32, #tpu.memory_space<vmem>>, %arg9: memref<!tpu.dma_semaphore, #tpu.memory_space<semaphore_mem>>, %arg10: memref<!tpu.dma_semaphore, #tpu.memory_space<semaphore_mem>>, %arg11: memref<!tpu.dma_semaphore, #tpu.memory_space<semaphore_mem>>, %arg12: memref<!tpu.dma_semaphore, #tpu.memory_space<semaphore_mem>>, %arg13: memref<!tpu.dma_semaphore, #tpu.memory_space<semaphore_mem>>, %arg14: memref<!tpu.dma_semaphore, #tpu.memory_space<semaphore_mem>>, %arg15: memref<!tpu.dma_semaphore, #tpu.memory_space<semaphore_mem>>, %arg16: memref<!tpu.dma_semaphore, #tpu.memory_space<semaphore_mem>>, %arg17: memref<10000x128xf32, #tpu.memory_space<vmem_shared>>) attributes {dimension_semantics = [#tpu.dimension_semantics<core_parallel>, #tpu.dimension_semantics<subcore_parallel>], iteration_bounds = array<i64: 2, 16>, scalar_prefetch = 0 : i64, scratch_operands = 14 : i64, tpu.core_type = #tpu.core_type<sc_vector_subcore>, window_params = [{transform_indices = #map}, {transform_indices = #map1}]} {
    %mul3A = arith.constant 16 : i32
    %mul3A_0 = arith.muli %arg0, %mul3A : i32
    %add3A = arith.addi %mul3A_0, %arg1 : i32
    %mul3A_1 = arith.constant 10000 : i32
    %mul3A_2 = arith.muli %add3A, %mul3A_1 : i32
    %scan3A = arith.constant 0 : i32
    %scan3A_3 = arith.constant 0 : i32
    %scan3A_4 = arith.constant 80 : i32
    %scan3A_5 = arith.addi %scan3A_3, %scan3A_4 : i32
    %scan3A_6 = arith.constant 1 : i32
    %scan3A_7 = scf.for %scan3A_99 = %scan3A_3 to %scan3A_5 step %scan3A_6 iter_args(%scan3A_100 = %scan3A) -> (i32)  : i32 {
      %broadcast_in_dim3A = arith.constant 0.000000e+00 : f32
      %broadcast_in_dim3A_101 = vector.broadcast %broadcast_in_dim3A : f32 to vector<16xf32>
      %swap3A = arith.index_cast %scan3A_99 : i32 to index
      %swap3A_102 = arith.constant 0 : index
      %swap3A_103 = tpu.vector_load %arg8[%swap3A, %swap3A_102] {strides = array<i32>} : memref<80x128xf32, #tpu.memory_space<vmem>>, vector<1x16xf32>,
      %swap3A_104 = vector.shape_cast %swap3A_103 : vector<1x16xf32> to vector<16xf32>
      %swap3A_105 = vector.shape_cast %broadcast_in_dim3A_101 : vector<16xf32> to vector<1x16xf32>
      tpu.vector_store %arg8[%swap3A, %swap3A_102], %swap3A_105 {strides = array<i32>} : memref<80x128xf32, #tpu.memory_space<vmem>>, vector<1x16xf32>,
      %broadcast_in_dim3A_106 = arith.constant 0.000000e+00 : f32
      %broadcast_in_dim3A_107 = vector.broadcast %broadcast_in_dim3A_106 : f32 to vector<16xf32>
      %swap3A_108 = arith.index_cast %scan3A_99 : i32 to index
      %swap3A_109 = arith.constant 16 : index
      %swap3A_110 = tpu.vector_load %arg8[%swap3A_108, %swap3A_109] {strides = array<i32>} : memref<80x128xf32, #tpu.memory_space<vmem>>, vector<1x16xf32>,
      %swap3A_111 = vector.shape_cast %swap3A_110 : vector<1x16xf32> to vector<16xf32>
      %swap3A_112 = vector.shape_cast %broadcast_in_dim3A_107 : vector<16xf32> to vector<1x16xf32>
      tpu.vector_store %arg8[%swap3A_108, %swap3A_109], %swap3A_112 {strides = array<i32>} : memref<80x128xf32, #tpu.memory_space<vmem>>, vector<1x16xf32>,
      %broadcast_in_dim3A_113 = arith.constant 0.000000e+00 : f32
      %broadcast_in_dim3A_114 = vector.broadcast %broadcast_in_dim3A_113 : f32 to vector<16xf32>
      %swap3A_115 = arith.index_cast %scan3A_99 : i32 to index
      %swap3A_116 = arith.constant 32 : index
      %swap3A_117 = tpu.vector_load %arg8[%swap3A_115, %swap3A_116] {strides = array<i32>} : memref<80x128xf32, #tpu.memory_space<vmem>>, vector<1x16xf32>,
      %swap3A_118 = vector.shape_cast %swap3A_117 : vector<1x16xf32> to vector<16xf32>
      %swap3A_119 = vector.shape_cast %broadcast_in_dim3A_114 : vector<16xf32> to vector<1x16xf32>
      tpu.vector_store %arg8[%swap3A_115, %swap3A_116], %swap3A_119 {strides = array<i32>} : memref<80x128xf32, #tpu.memory_space<vmem>>, vector<1x16xf32>,
      %broadcast_in_dim3A_120 = arith.constant 0.000000e+00 : f32
      %broadcast_in_dim3A_121 = vector.broadcast %broadcast_in_dim3A_120 : f32 to vector<16xf32>
      %swap3A_122 = arith.index_cast %scan3A_99 : i32 to index
      %swap3A_123 = arith.constant 48 : index
      %swap3A_124 = tpu.vector_load %arg8[%swap3A_122, %swap3A_123] {strides = array<i32>} : memref<80x128xf32, #tpu.memory_space<vmem>>, vector<1x16xf32>,
      %swap3A_125 = vector.shape_cast %swap3A_124 : vector<1x16xf32> to vector<16xf32>
      %swap3A_126 = vector.shape_cast %broadcast_in_dim3A_121 : vector<16xf32> to vector<1x16xf32>
      tpu.vector_store %arg8[%swap3A_122, %swap3A_123], %swap3A_126 {strides = array<i32>} : memref<80x128xf32, #tpu.memory_space<vmem>>, vector<1x16xf32>,
      %broadcast_in_dim3A_127 = arith.constant 0.000000e+00 : f32
      %broadcast_in_dim3A_128 = vector.broadcast %broadcast_in_dim3A_127 : f32 to vector<16xf32>
      %swap3A_129 = arith.index_cast %scan3A_99 : i32 to index
      %swap3A_130 = arith.constant 64 : index
      %swap3A_131 = tpu.vector_load %arg8[%swap3A_129, %swap3A_130] {strides = array<i32>} : memref<80x128xf32, #tpu.memory_space<vmem>>, vector<1x16xf32>,
      %swap3A_132 = vector.shape_cast %swap3A_131 : vector<1x16xf32> to vector<16xf32>
      %swap3A_133 = vector.shape_cast %broadcast_in_dim3A_128 : vector<16xf32> to vector<1x16xf32>
      tpu.vector_store %arg8[%swap3A_129, %swap3A_130], %swap3A_133 {strides = array<i32>} : memref<80x128xf32, #tpu.memory_space<vmem>>, vector<1x16xf32>,
      %broadcast_in_dim3A_134 = arith.constant 0.000000e+00 : f32
      %broadcast_in_dim3A_135 = vector.broadcast %broadcast_in_dim3A_134 : f32 to vector<16xf32>
      %swap3A_136 = arith.index_cast %scan3A_99 : i32 to index
      %swap3A_137 = arith.constant 80 : index
      %swap3A_138 = tpu.vector_load %arg8[%swap3A_136, %swap3A_137] {strides = array<i32>} : memref<80x128xf32, #tpu.memory_space<vmem>>, vector<1x16xf32>,
      %swap3A_139 = vector.shape_cast %swap3A_138 : vector<1x16xf32> to vector<16xf32>
      %swap3A_140 = vector.shape_cast %broadcast_in_dim3A_135 : vector<16xf32> to vector<1x16xf32>
      tpu.vector_store %arg8[%swap3A_136, %swap3A_137], %swap3A_140 {strides = array<i32>} : memref<80x128xf32, #tpu.memory_space<vmem>>, vector<1x16xf32>,
      %broadcast_in_dim3A_141 = arith.constant 0.000000e+00 : f32
      %broadcast_in_dim3A_142 = vector.broadcast %broadcast_in_dim3A_141 : f32 to vector<16xf32>
      %swap3A_143 = arith.index_cast %scan3A_99 : i32 to index
      %swap3A_144 = arith.constant 96 : index
      %swap3A_145 = tpu.vector_load %arg8[%swap3A_143, %swap3A_144] {strides = array<i32>} : memref<80x128xf32, #tpu.memory_space<vmem>>, vector<1x16xf32>,
      %swap3A_146 = vector.shape_cast %swap3A_145 : vector<1x16xf32> to vector<16xf32>
      %swap3A_147 = vector.shape_cast %broadcast_in_dim3A_142 : vector<16xf32> to vector<1x16xf32>
      tpu.vector_store %arg8[%swap3A_143, %swap3A_144], %swap3A_147 {strides = array<i32>} : memref<80x128xf32, #tpu.memory_space<vmem>>, vector<1x16xf32>,
      %broadcast_in_dim3A_148 = arith.constant 0.000000e+00 : f32
      %broadcast_in_dim3A_149 = vector.broadcast %broadcast_in_dim3A_148 : f32 to vector<16xf32>
      %swap3A_150 = arith.index_cast %scan3A_99 : i32 to index
      %swap3A_151 = arith.constant 112 : index
      %swap3A_152 = tpu.vector_load %arg8[%swap3A_150, %swap3A_151] {strides = array<i32>} : memref<80x128xf32, #tpu.memory_space<vmem>>, vector<1x16xf32>,
      %swap3A_153 = vector.shape_cast %swap3A_152 : vector<1x16xf32> to vector<16xf32>
      %swap3A_154 = vector.shape_cast %broadcast_in_dim3A_149 : vector<16xf32> to vector<1x16xf32>
      tpu.vector_store %arg8[%swap3A_150, %swap3A_151], %swap3A_154 {strides = array<i32>} : memref<80x128xf32, #tpu.memory_space<vmem>>, vector<1x16xf32>,
      %scan3A_155 = arith.constant 0 : i32
      scf.yield %scan3A_155 : i32
    }
    %scan3A_8 = arith.constant 80 : i32
    %mul3A_9 = arith.constant 624 : i32
    %mul3A_10 = arith.muli %arg1, %mul3A_9 : i32
    %add3A_11 = arith.constant 0 : i32
    %add3A_12 = arith.addi %mul3A_10, %add3A_11 : i32
    "tpu.region"() ({
      %run_scoped3A = tpu.sem_alloc : memref<!tpu.dma_semaphore, #tpu.memory_space<semaphore_mem>>
      %dma_start3A_99 = arith.constant 0 : i32
      %dma_start3A_100 = arith.constant 0 : i32
      %dma_start3A_101 = tpu.memref_slice %arg8[%dma_start3A_99, %dma_start3A_100] : memref<80x128xf32, #tpu.memory_space<vmem>> -> memref<80x128xf32, #tpu.memory_space<vmem>>
      %dma_start3A_102 = arith.constant 0 : i32
      %dma_start3A_103 = tpu.memref_slice %arg17[%add3A_12, %dma_start3A_102] : memref<10000x128xf32, #tpu.memory_space<vmem_shared>> -> memref<80x128xf32, #tpu.memory_space<vmem_shared>>
      %dma_start3A_104 = arith.constant 0 : i32
      %dma_start3A_105 = tpu.memref_slice %arg17[%add3A_12, %dma_start3A_104] : memref<10000x128xf32, #tpu.memory_space<vmem_shared>> -> memref<80x128xf32, #tpu.memory_space<vmem_shared>>
      %dma_start3A_106 = arith.constant 0 : i32
      %dma_start3A_107 = arith.constant 0 : i32
      %dma_start3A_108 = tpu.memref_slice %arg8[%dma_start3A_106, %dma_start3A_107] : memref<80x128xf32, #tpu.memory_space<vmem>> -> memref<80x128xf32, #tpu.memory_space<vmem>>
      tpu.enqueue_dma source(%dma_start3A_108 : memref<80x128xf32, #tpu.memory_space<vmem>>) target(%dma_start3A_105 : memref<80x128xf32, #tpu.memory_space<vmem_shared>>) target_semaphore(%run_scoped3A : memref<!tpu.dma_semaphore, #tpu.memory_space<semaphore_mem>>)
      %dma_wait3A_109 = arith.constant 0 : i32
      %dma_wait3A_110 = arith.constant 0 : i32
      %dma_wait3A_111 = tpu.memref_slice %arg8[%dma_wait3A_109, %dma_wait3A_110] : memref<80x128xf32, #tpu.memory_space<vmem>> -> memref<80x128xf32, #tpu.memory_space<vmem>>
      %dma_wait3A_112 = arith.constant 0 : i32
      %dma_wait3A_113 = tpu.memref_slice %arg17[%add3A_12, %dma_wait3A_112] : memref<10000x128xf32, #tpu.memory_space<vmem_shared>> -> memref<80x128xf32, #tpu.memory_space<vmem_shared>>
      %dma_wait3A_114 = arith.constant 0 : i32
      %dma_wait3A_115 = tpu.memref_slice %arg17[%add3A_12, %dma_wait3A_114] : memref<10000x128xf32, #tpu.memory_space<vmem_shared>> -> memref<80x128xf32, #tpu.memory_space<vmem_shared>>
      %dma_wait3A_116 = arith.constant 0 : i32
      %dma_wait3A_117 = arith.constant 0 : i32
      %dma_wait3A_118 = tpu.memref_slice %arg8[%dma_wait3A_116, %dma_wait3A_117] : memref<80x128xf32, #tpu.memory_space<vmem>> -> memref<80x128xf32, #tpu.memory_space<vmem>>
      tpu.wait_dma2 semaphore(%run_scoped3A : memref<!tpu.dma_semaphore, #tpu.memory_space<semaphore_mem>>) src(%dma_wait3A_118 : memref<80x128xf32, #tpu.memory_space<vmem>>) dst(%dma_wait3A_115 : memref<80x128xf32, #tpu.memory_space<vmem_shared>>)
      tpu.yield
    }) : () -> ()
    %mul3A_13 = arith.constant 624 : i32
    %mul3A_14 = arith.muli %arg1, %mul3A_13 : i32
    %add3A_15 = arith.constant 80 : i32
    %add3A_16 = arith.addi %mul3A_14, %add3A_15 : i32
    "tpu.region"() ({
      %run_scoped3A = tpu.sem_alloc : memref<!tpu.dma_semaphore, #tpu.memory_space<semaphore_mem>>
      %dma_start3A_99 = arith.constant 0 : i32
      %dma_start3A_100 = arith.constant 0 : i32
      %dma_start3A_101 = tpu.memref_slice %arg8[%dma_start3A_99, %dma_start3A_100] : memref<80x128xf32, #tpu.memory_space<vmem>> -> memref<80x128xf32, #tpu.memory_space<vmem>>
      %dma_start3A_102 = arith.constant 0 : i32
      %dma_start3A_103 = tpu.memref_slice %arg17[%add3A_16, %dma_start3A_102] : memref<10000x128xf32, #tpu.memory_space<vmem_shared>> -> memref<80x128xf32, #tpu.memory_space<vmem_shared>>
      %dma_start3A_104 = arith.constant 0 : i32
      %dma_start3A_105 = tpu.memref_slice %arg17[%add3A_16, %dma_start3A_104] : memref<10000x128xf32, #tpu.memory_space<vmem_shared>> -> memref<80x128xf32, #tpu.memory_space<vmem_shared>>
      %dma_start3A_106 = arith.constant 0 : i32
      %dma_start3A_107 = arith.constant 0 : i32
      %dma_start3A_108 = tpu.memref_slice %arg8[%dma_start3A_106, %dma_start3A_107] : memref<80x128xf32, #tpu.memory_space<vmem>> -> memref<80x128xf32, #tpu.memory_space<vmem>>
      tpu.enqueue_dma source(%dma_start3A_108 : memref<80x128xf32, #tpu.memory_space<vmem>>) target(%dma_start3A_105 : memref<80x128xf32, #tpu.memory_space<vmem_shared>>) target_semaphore(%run_scoped3A : memref<!tpu.dma_semaphore, #tpu.memory_space<semaphore_mem>>)
      %dma_wait3A_109 = arith.constant 0 : i32
      %dma_wait3A_110 = arith.constant 0 : i32
      %dma_wait3A_111 = tpu.memref_slice %arg8[%dma_wait3A_109, %dma_wait3A_110] : memref<80x128xf32, #tpu.memory_space<vmem>> -> memref<80x128xf32, #tpu.memory_space<vmem>>
      %dma_wait3A_112 = arith.constant 0 : i32
      %dma_wait3A_113 = tpu.memref_slice %arg17[%add3A_16, %dma_wait3A_112] : memref<10000x128xf32, #tpu.memory_space<vmem_shared>> -> memref<80x128xf32, #tpu.memory_space<vmem_shared>>
      %dma_wait3A_114 = arith.constant 0 : i32
      %dma_wait3A_115 = tpu.memref_slice %arg17[%add3A_16, %dma_wait3A_114] : memref<10000x128xf32, #tpu.memory_space<vmem_shared>> -> memref<80x128xf32, #tpu.memory_space<vmem_shared>>
      %dma_wait3A_116 = arith.constant 0 : i32
      %dma_wait3A_117 = arith.constant 0 : i32
      %dma_wait3A_118 = tpu.memref_slice %arg8[%dma_wait3A_116, %dma_wait3A_117] : memref<80x128xf32, #tpu.memory_space<vmem>> -> memref<80x128xf32, #tpu.memory_space<vmem>>
      tpu.wait_dma2 semaphore(%run_scoped3A : memref<!tpu.dma_semaphore, #tpu.memory_space<semaphore_mem>>) src(%dma_wait3A_118 : memref<80x128xf32, #tpu.memory_space<vmem>>) dst(%dma_wait3A_115 : memref<80x128xf32, #tpu.memory_space<vmem_shared>>)
      tpu.yield
    }) : () -> ()
    %mul3A_17 = arith.constant 624 : i32
    %mul3A_18 = arith.muli %arg1, %mul3A_17 : i32
    %add3A_19 = arith.constant 160 : i32
    %add3A_20 = arith.addi %mul3A_18, %add3A_19 : i32
    "tpu.region"() ({
      %run_scoped3A = tpu.sem_alloc : memref<!tpu.dma_semaphore, #tpu.memory_space<semaphore_mem>>
      %dma_start3A_99 = arith.constant 0 : i32
      %dma_start3A_100 = arith.constant 0 : i32
      %dma_start3A_101 = tpu.memref_slice %arg8[%dma_start3A_99, %dma_start3A_100] : memref<80x128xf32, #tpu.memory_space<vmem>> -> memref<80x128xf32, #tpu.memory_space<vmem>>
      %dma_start3A_102 = arith.constant 0 : i32
      %dma_start3A_103 = tpu.memref_slice %arg17[%add3A_20, %dma_start3A_102] : memref<10000x128xf32, #tpu.memory_space<vmem_shared>> -> memref<80x128xf32, #tpu.memory_space<vmem_shared>>
      %dma_start3A_104 = arith.constant 0 : i32
      %dma_start3A_105 = tpu.memref_slice %arg17[%add3A_20, %dma_start3A_104] : memref<10000x128xf32, #tpu.memory_space<vmem_shared>> -> memref<80x128xf32, #tpu.memory_space<vmem_shared>>
      %dma_start3A_106 = arith.constant 0 : i32
      %dma_start3A_107 = arith.constant 0 : i32
      %dma_start3A_108 = tpu.memref_slice %arg8[%dma_start3A_106, %dma_start3A_107] : memref<80x128xf32, #tpu.memory_space<vmem>> -> memref<80x128xf32, #tpu.memory_space<vmem>>
      tpu.enqueue_dma source(%dma_start3A_108 : memref<80x128xf32, #tpu.memory_space<vmem>>) target(%dma_start3A_105 : memref<80x128xf32, #tpu.memory_space<vmem_shared>>) target_semaphore(%run_scoped3A : memref<!tpu.dma_semaphore, #tpu.memory_space<semaphore_mem>>)
      %dma_wait3A_109 = arith.constant 0 : i32
      %dma_wait3A_110 = arith.constant 0 : i32
      %dma_wait3A_111 = tpu.memref_slice %arg8[%dma_wait3A_109, %dma_wait3A_110] : memref<80x128xf32, #tpu.memory_space<vmem>> -> memref<80x128xf32, #tpu.memory_space<vmem>>
      %dma_wait3A_112 = arith.constant 0 : i32
      %dma_wait3A_113 = tpu.memref_slice %arg17[%add3A_20, %dma_wait3A_112] : memref<10000x128xf32, #tpu.memory_space<vmem_shared>> -> memref<80x128xf32, #tpu.memory_space<vmem_shared>>
      %dma_wait3A_114 = arith.constant 0 : i32
      %dma_wait3A_115 = tpu.memref_slice %arg17[%add3A_20, %dma_wait3A_114] : memref<10000x128xf32, #tpu.memory_space<vmem_shared>> -> memref<80x128xf32, #tpu.memory_space<vmem_shared>>
      %dma_wait3A_116 = arith.constant 0 : i32
      %dma_wait3A_117 = arith.constant 0 : i32
      %dma_wait3A_118 = tpu.memref_slice %arg8[%dma_wait3A_116, %dma_wait3A_117] : memref<80x128xf32, #tpu.memory_space<vmem>> -> memref<80x128xf32, #tpu.memory_space<vmem>>
      tpu.wait_dma2 semaphore(%run_scoped3A : memref<!tpu.dma_semaphore, #tpu.memory_space<semaphore_mem>>) src(%dma_wait3A_118 : memref<80x128xf32, #tpu.memory_space<vmem>>) dst(%dma_wait3A_115 : memref<80x128xf32, #tpu.memory_space<vmem_shared>>)
      tpu.yield
    }) : () -> ()
    %mul3A_21 = arith.constant 624 : i32
    %mul3A_22 = arith.muli %arg1, %mul3A_21 : i32
    %add3A_23 = arith.constant 240 : i32
    %add3A_24 = arith.addi %mul3A_22, %add3A_23 : i32
    "tpu.region"() ({
      %run_scoped3A = tpu.sem_alloc : memref<!tpu.dma_semaphore, #tpu.memory_space<semaphore_mem>>
      %dma_start3A_99 = arith.constant 0 : i32
      %dma_start3A_100 = arith.constant 0 : i32
      %dma_start3A_101 = tpu.memref_slice %arg8[%dma_start3A_99, %dma_start3A_100] : memref<80x128xf32, #tpu.memory_space<vmem>> -> memref<80x128xf32, #tpu.memory_space<vmem>>
      %dma_start3A_102 = arith.constant 0 : i32
      %dma_start3A_103 = tpu.memref_slice %arg17[%add3A_24, %dma_start3A_102] : memref<10000x128xf32, #tpu.memory_space<vmem_shared>> -> memref<80x128xf32, #tpu.memory_space<vmem_shared>>
      %dma_start3A_104 = arith.constant 0 : i32
      %dma_start3A_105 = tpu.memref_slice %arg17[%add3A_24, %dma_start3A_104] : memref<10000x128xf32, #tpu.memory_space<vmem_shared>> -> memref<80x128xf32, #tpu.memory_space<vmem_shared>>
      %dma_start3A_106 = arith.constant 0 : i32
      %dma_start3A_107 = arith.constant 0 : i32
      %dma_start3A_108 = tpu.memref_slice %arg8[%dma_start3A_106, %dma_start3A_107] : memref<80x128xf32, #tpu.memory_space<vmem>> -> memref<80x128xf32, #tpu.memory_space<vmem>>
      tpu.enqueue_dma source(%dma_start3A_108 : memref<80x128xf32, #tpu.memory_space<vmem>>) target(%dma_start3A_105 : memref<80x128xf32, #tpu.memory_space<vmem_shared>>) target_semaphore(%run_scoped3A : memref<!tpu.dma_semaphore, #tpu.memory_space<semaphore_mem>>)
      %dma_wait3A_109 = arith.constant 0 : i32
      %dma_wait3A_110 = arith.constant 0 : i32
      %dma_wait3A_111 = tpu.memref_slice %arg8[%dma_wait3A_109, %dma_wait3A_110] : memref<80x128xf32, #tpu.memory_space<vmem>> -> memref<80x128xf32, #tpu.memory_space<vmem>>
      %dma_wait3A_112 = arith.constant 0 : i32
      %dma_wait3A_113 = tpu.memref_slice %arg17[%add3A_24, %dma_wait3A_112] : memref<10000x128xf32, #tpu.memory_space<vmem_shared>> -> memref<80x128xf32, #tpu.memory_space<vmem_shared>>
      %dma_wait3A_114 = arith.constant 0 : i32
      %dma_wait3A_115 = tpu.memref_slice %arg17[%add3A_24, %dma_wait3A_114] : memref<10000x128xf32, #tpu.memory_space<vmem_shared>> -> memref<80x128xf32, #tpu.memory_space<vmem_shared>>
      %dma_wait3A_116 = arith.constant 0 : i32
      %dma_wait3A_117 = arith.constant 0 : i32
      %dma_wait3A_118 = tpu.memref_slice %arg8[%dma_wait3A_116, %dma_wait3A_117] : memref<80x128xf32, #tpu.memory_space<vmem>> -> memref<80x128xf32, #tpu.memory_space<vmem>>
      tpu.wait_dma2 semaphore(%run_scoped3A : memref<!tpu.dma_semaphore, #tpu.memory_space<semaphore_mem>>) src(%dma_wait3A_118 : memref<80x128xf32, #tpu.memory_space<vmem>>) dst(%dma_wait3A_115 : memref<80x128xf32, #tpu.memory_space<vmem_shared>>)
      tpu.yield
    }) : () -> ()
    %mul3A_25 = arith.constant 624 : i32
    %mul3A_26 = arith.muli %arg1, %mul3A_25 : i32
    %add3A_27 = arith.constant 320 : i32
    %add3A_28 = arith.addi %mul3A_26, %add3A_27 : i32
    "tpu.region"() ({
      %run_scoped3A = tpu.sem_alloc : memref<!tpu.dma_semaphore, #tpu.memory_space<semaphore_mem>>
      %dma_start3A_99 = arith.constant 0 : i32
      %dma_start3A_100 = arith.constant 0 : i32
      %dma_start3A_101 = tpu.memref_slice %arg8[%dma_start3A_99, %dma_start3A_100] : memref<80x128xf32, #tpu.memory_space<vmem>> -> memref<80x128xf32, #tpu.memory_space<vmem>>
      %dma_start3A_102 = arith.constant 0 : i32
      %dma_start3A_103 = tpu.memref_slice %arg17[%add3A_28, %dma_start3A_102] : memref<10000x128xf32, #tpu.memory_space<vmem_shared>> -> memref<80x128xf32, #tpu.memory_space<vmem_shared>>
      %dma_start3A_104 = arith.constant 0 : i32
      %dma_start3A_105 = tpu.memref_slice %arg17[%add3A_28, %dma_start3A_104] : memref<10000x128xf32, #tpu.memory_space<vmem_shared>> -> memref<80x128xf32, #tpu.memory_space<vmem_shared>>
      %dma_start3A_106 = arith.constant 0 : i32
      %dma_start3A_107 = arith.constant 0 : i32
      %dma_start3A_108 = tpu.memref_slice %arg8[%dma_start3A_106, %dma_start3A_107] : memref<80x128xf32, #tpu.memory_space<vmem>> -> memref<80x128xf32, #tpu.memory_space<vmem>>
      tpu.enqueue_dma source(%dma_start3A_108 : memref<80x128xf32, #tpu.memory_space<vmem>>) target(%dma_start3A_105 : memref<80x128xf32, #tpu.memory_space<vmem_shared>>) target_semaphore(%run_scoped3A : memref<!tpu.dma_semaphore, #tpu.memory_space<semaphore_mem>>)
      %dma_wait3A_109 = arith.constant 0 : i32
      %dma_wait3A_110 = arith.constant 0 : i32
      %dma_wait3A_111 = tpu.memref_slice %arg8[%dma_wait3A_109, %dma_wait3A_110] : memref<80x128xf32, #tpu.memory_space<vmem>> -> memref<80x128xf32, #tpu.memory_space<vmem>>
      %dma_wait3A_112 = arith.constant 0 : i32
      %dma_wait3A_113 = tpu.memref_slice %arg17[%add3A_28, %dma_wait3A_112] : memref<10000x128xf32, #tpu.memory_space<vmem_shared>> -> memref<80x128xf32, #tpu.memory_space<vmem_shared>>
      %dma_wait3A_114 = arith.constant 0 : i32
      %dma_wait3A_115 = tpu.memref_slice %arg17[%add3A_28, %dma_wait3A_114] : memref<10000x128xf32, #tpu.memory_space<vmem_shared>> -> memref<80x128xf32, #tpu.memory_space<vmem_shared>>
      %dma_wait3A_116 = arith.constant 0 : i32
      %dma_wait3A_117 = arith.constant 0 : i32
      %dma_wait3A_118 = tpu.memref_slice %arg8[%dma_wait3A_116, %dma_wait3A_117] : memref<80x128xf32, #tpu.memory_space<vmem>> -> memref<80x128xf32, #tpu.memory_space<vmem>>
      tpu.wait_dma2 semaphore(%run_scoped3A : memref<!tpu.dma_semaphore, #tpu.memory_space<semaphore_mem>>) src(%dma_wait3A_118 : memref<80x128xf32, #tpu.memory_space<vmem>>) dst(%dma_wait3A_115 : memref<80x128xf32, #tpu.memory_space<vmem_shared>>)
      tpu.yield
    }) : () -> ()
    %mul3A_29 = arith.constant 624 : i32
    %mul3A_30 = arith.muli %arg1, %mul3A_29 : i32
    %add3A_31 = arith.constant 400 : i32
    %add3A_32 = arith.addi %mul3A_30, %add3A_31 : i32
    "tpu.region"() ({
      %run_scoped3A = tpu.sem_alloc : memref<!tpu.dma_semaphore, #tpu.memory_space<semaphore_mem>>
      %dma_start3A_99 = arith.constant 0 : i32
      %dma_start3A_100 = arith.constant 0 : i32
      %dma_start3A_101 = tpu.memref_slice %arg8[%dma_start3A_99, %dma_start3A_100] : memref<80x128xf32, #tpu.memory_space<vmem>> -> memref<80x128xf32, #tpu.memory_space<vmem>>
      %dma_start3A_102 = arith.constant 0 : i32
      %dma_start3A_103 = tpu.memref_slice %arg17[%add3A_32, %dma_start3A_102] : memref<10000x128xf32, #tpu.memory_space<vmem_shared>> -> memref<80x128xf32, #tpu.memory_space<vmem_shared>>
      %dma_start3A_104 = arith.constant 0 : i32
      %dma_start3A_105 = tpu.memref_slice %arg17[%add3A_32, %dma_start3A_104] : memref<10000x128xf32, #tpu.memory_space<vmem_shared>> -> memref<80x128xf32, #tpu.memory_space<vmem_shared>>
      %dma_start3A_106 = arith.constant 0 : i32
      %dma_start3A_107 = arith.constant 0 : i32
      %dma_start3A_108 = tpu.memref_slice %arg8[%dma_start3A_106, %dma_start3A_107] : memref<80x128xf32, #tpu.memory_space<vmem>> -> memref<80x128xf32, #tpu.memory_space<vmem>>
      tpu.enqueue_dma source(%dma_start3A_108 : memref<80x128xf32, #tpu.memory_space<vmem>>) target(%dma_start3A_105 : memref<80x128xf32, #tpu.memory_space<vmem_shared>>) target_semaphore(%run_scoped3A : memref<!tpu.dma_semaphore, #tpu.memory_space<semaphore_mem>>)
      %dma_wait3A_109 = arith.constant 0 : i32
      %dma_wait3A_110 = arith.constant 0 : i32
      %dma_wait3A_111 = tpu.memref_slice %arg8[%dma_wait3A_109, %dma_wait3A_110] : memref<80x128xf32, #tpu.memory_space<vmem>> -> memref<80x128xf32, #tpu.memory_space<vmem>>
      %dma_wait3A_112 = arith.constant 0 : i32
      %dma_wait3A_113 = tpu.memref_slice %arg17[%add3A_32, %dma_wait3A_112] : memref<10000x128xf32, #tpu.memory_space<vmem_shared>> -> memref<80x128xf32, #tpu.memory_space<vmem_shared>>
      %dma_wait3A_114 = arith.constant 0 : i32
      %dma_wait3A_115 = tpu.memref_slice %arg17[%add3A_32, %dma_wait3A_114] : memref<10000x128xf32, #tpu.memory_space<vmem_shared>> -> memref<80x128xf32, #tpu.memory_space<vmem_shared>>
      %dma_wait3A_116 = arith.constant 0 : i32
      %dma_wait3A_117 = arith.constant 0 : i32
      %dma_wait3A_118 = tpu.memref_slice %arg8[%dma_wait3A_116, %dma_wait3A_117] : memref<80x128xf32, #tpu.memory_space<vmem>> -> memref<80x128xf32, #tpu.memory_space<vmem>>
      tpu.wait_dma2 semaphore(%run_scoped3A : memref<!tpu.dma_semaphore, #tpu.memory_space<semaphore_mem>>) src(%dma_wait3A_118 : memref<80x128xf32, #tpu.memory_space<vmem>>) dst(%dma_wait3A_115 : memref<80x128xf32, #tpu.memory_space<vmem_shared>>)
      tpu.yield
    }) : () -> ()
    %mul3A_33 = arith.constant 624 : i32
    %mul3A_34 = arith.muli %arg1, %mul3A_33 : i32
    %add3A_35 = arith.constant 480 : i32
    %add3A_36 = arith.addi %mul3A_34, %add3A_35 : i32
    "tpu.region"() ({
      %run_scoped3A = tpu.sem_alloc : memref<!tpu.dma_semaphore, #tpu.memory_space<semaphore_mem>>
      %dma_start3A_99 = arith.constant 0 : i32
      %dma_start3A_100 = arith.constant 0 : i32
      %dma_start3A_101 = tpu.memref_slice %arg8[%dma_start3A_99, %dma_start3A_100] : memref<80x128xf32, #tpu.memory_space<vmem>> -> memref<80x128xf32, #tpu.memory_space<vmem>>
      %dma_start3A_102 = arith.constant 0 : i32
      %dma_start3A_103 = tpu.memref_slice %arg17[%add3A_36, %dma_start3A_102] : memref<10000x128xf32, #tpu.memory_space<vmem_shared>> -> memref<80x128xf32, #tpu.memory_space<vmem_shared>>
      %dma_start3A_104 = arith.constant 0 : i32
      %dma_start3A_105 = tpu.memref_slice %arg17[%add3A_36, %dma_start3A_104] : memref<10000x128xf32, #tpu.memory_space<vmem_shared>> -> memref<80x128xf32, #tpu.memory_space<vmem_shared>>
      %dma_start3A_106 = arith.constant 0 : i32
      %dma_start3A_107 = arith.constant 0 : i32
      %dma_start3A_108 = tpu.memref_slice %arg8[%dma_start3A_106, %dma_start3A_107] : memref<80x128xf32, #tpu.memory_space<vmem>> -> memref<80x128xf32, #tpu.memory_space<vmem>>
      tpu.enqueue_dma source(%dma_start3A_108 : memref<80x128xf32, #tpu.memory_space<vmem>>) target(%dma_start3A_105 : memref<80x128xf32, #tpu.memory_space<vmem_shared>>) target_semaphore(%run_scoped3A : memref<!tpu.dma_semaphore, #tpu.memory_space<semaphore_mem>>)
      %dma_wait3A_109 = arith.constant 0 : i32
      %dma_wait3A_110 = arith.constant 0 : i32
      %dma_wait3A_111 = tpu.memref_slice %arg8[%dma_wait3A_109, %dma_wait3A_110] : memref<80x128xf32, #tpu.memory_space<vmem>> -> memref<80x128xf32, #tpu.memory_space<vmem>>
      %dma_wait3A_112 = arith.constant 0 : i32
      %dma_wait3A_113 = tpu.memref_slice %arg17[%add3A_36, %dma_wait3A_112] : memref<10000x128xf32, #tpu.memory_space<vmem_shared>> -> memref<80x128xf32, #tpu.memory_space<vmem_shared>>
      %dma_wait3A_114 = arith.constant 0 : i32
      %dma_wait3A_115 = tpu.memref_slice %arg17[%add3A_36, %dma_wait3A_114] : memref<10000x128xf32, #tpu.memory_space<vmem_shared>> -> memref<80x128xf32, #tpu.memory_space<vmem_shared>>
      %dma_wait3A_116 = arith.constant 0 : i32
      %dma_wait3A_117 = arith.constant 0 : i32
      %dma_wait3A_118 = tpu.memref_slice %arg8[%dma_wait3A_116, %dma_wait3A_117] : memref<80x128xf32, #tpu.memory_space<vmem>> -> memref<80x128xf32, #tpu.memory_space<vmem>>
      tpu.wait_dma2 semaphore(%run_scoped3A : memref<!tpu.dma_semaphore, #tpu.memory_space<semaphore_mem>>) src(%dma_wait3A_118 : memref<80x128xf32, #tpu.memory_space<vmem>>) dst(%dma_wait3A_115 : memref<80x128xf32, #tpu.memory_space<vmem_shared>>)
      tpu.yield
    }) : () -> ()
    %mul3A_37 = arith.constant 624 : i32
    %mul3A_38 = arith.muli %arg1, %mul3A_37 : i32
    %add3A_39 = arith.constant 560 : i32
    %add3A_40 = arith.addi %mul3A_38, %add3A_39 : i32
    "tpu.region"() ({
      %run_scoped3A = tpu.sem_alloc : memref<!tpu.dma_semaphore, #tpu.memory_space<semaphore_mem>>
      %dma_start3A_99 = arith.constant 0 : i32
      %dma_start3A_100 = arith.constant 0 : i32
      %dma_start3A_101 = tpu.memref_slice %arg8[%dma_start3A_99, %dma_start3A_100] : memref<80x128xf32, #tpu.memory_space<vmem>> -> memref<64x128xf32, #tpu.memory_space<vmem>>
      %dma_start3A_102 = arith.constant 0 : i32
      %dma_start3A_103 = tpu.memref_slice %arg17[%add3A_40, %dma_start3A_102] : memref<10000x128xf32, #tpu.memory_space<vmem_shared>> -> memref<64x128xf32, #tpu.memory_space<vmem_shared>>
      %dma_start3A_104 = arith.constant 0 : i32
      %dma_start3A_105 = tpu.memref_slice %arg17[%add3A_40, %dma_start3A_104] : memref<10000x128xf32, #tpu.memory_space<vmem_shared>> -> memref<64x128xf32, #tpu.memory_space<vmem_shared>>
      %dma_start3A_106 = arith.constant 0 : i32
      %dma_start3A_107 = arith.constant 0 : i32
      %dma_start3A_108 = tpu.memref_slice %arg8[%dma_start3A_106, %dma_start3A_107] : memref<80x128xf32, #tpu.memory_space<vmem>> -> memref<64x128xf32, #tpu.memory_space<vmem>>
      tpu.enqueue_dma source(%dma_start3A_108 : memref<64x128xf32, #tpu.memory_space<vmem>>) target(%dma_start3A_105 : memref<64x128xf32, #tpu.memory_space<vmem_shared>>) target_semaphore(%run_scoped3A : memref<!tpu.dma_semaphore, #tpu.memory_space<semaphore_mem>>)
      %dma_wait3A_109 = arith.constant 0 : i32
      %dma_wait3A_110 = arith.constant 0 : i32
      %dma_wait3A_111 = tpu.memref_slice %arg8[%dma_wait3A_109, %dma_wait3A_110] : memref<80x128xf32, #tpu.memory_space<vmem>> -> memref<64x128xf32, #tpu.memory_space<vmem>>
      %dma_wait3A_112 = arith.constant 0 : i32
      %dma_wait3A_113 = tpu.memref_slice %arg17[%add3A_40, %dma_wait3A_112] : memref<10000x128xf32, #tpu.memory_space<vmem_shared>> -> memref<64x128xf32, #tpu.memory_space<vmem_shared>>
      %dma_wait3A_114 = arith.constant 0 : i32
      %dma_wait3A_115 = tpu.memref_slice %arg17[%add3A_40, %dma_wait3A_114] : memref<10000x128xf32, #tpu.memory_space<vmem_shared>> -> memref<64x128xf32, #tpu.memory_space<vmem_shared>>
      %dma_wait3A_116 = arith.constant 0 : i32
      %dma_wait3A_117 = arith.constant 0 : i32
      %dma_wait3A_118 = tpu.memref_slice %arg8[%dma_wait3A_116, %dma_wait3A_117] : memref<80x128xf32, #tpu.memory_space<vmem>> -> memref<64x128xf32, #tpu.memory_space<vmem>>
      tpu.wait_dma2 semaphore(%run_scoped3A : memref<!tpu.dma_semaphore, #tpu.memory_space<semaphore_mem>>) src(%dma_wait3A_118 : memref<64x128xf32, #tpu.memory_space<vmem>>) dst(%dma_wait3A_115 : memref<64x128xf32, #tpu.memory_space<vmem_shared>>)
      tpu.yield
    }) : () -> ()
    %eq3A = arith.constant 15 : i32
    %eq3A_41 = arith.cmpi eq, %arg1, %eq3A : i32
    %convert_element_type3A = arith.extui %eq3A_41 : i1 to i32
    %cond3A = arith.constant 0 : i32
    %cond3A_42 = arith.cmpi ne, %convert_element_type3A, %cond3A : i32
    scf.if %cond3A_42 {
      "tpu.region"() ({
        %run_scoped3A = tpu.sem_alloc : memref<!tpu.dma_semaphore, #tpu.memory_space<semaphore_mem>>
        %dma_start3A_99 = arith.constant 0 : i32
        %dma_start3A_100 = arith.constant 0 : i32
        %dma_start3A_101 = tpu.memref_slice %arg8[%dma_start3A_99, %dma_start3A_100] : memref<80x128xf32, #tpu.memory_space<vmem>> -> memref<16x128xf32, #tpu.memory_space<vmem>>
        %dma_start3A_102 = arith.constant 9984 : i32
        %dma_start3A_103 = arith.constant 0 : i32
        %dma_start3A_104 = tpu.memref_slice %arg17[%dma_start3A_102, %dma_start3A_103] : memref<10000x128xf32, #tpu.memory_space<vmem_shared>> -> memref<16x128xf32, #tpu.memory_space<vmem_shared>>
        %dma_start3A_105 = arith.constant 9984 : i32
        %dma_start3A_106 = arith.constant 0 : i32
        %dma_start3A_107 = tpu.memref_slice %arg17[%dma_start3A_105, %dma_start3A_106] : memref<10000x128xf32, #tpu.memory_space<vmem_shared>> -> memref<16x128xf32, #tpu.memory_space<vmem_shared>>
        %dma_start3A_108 = arith.constant 0 : i32
        %dma_start3A_109 = arith.constant 0 : i32
        %dma_start3A_110 = tpu.memref_slice %arg8[%dma_start3A_108, %dma_start3A_109] : memref<80x128xf32, #tpu.memory_space<vmem>> -> memref<16x128xf32, #tpu.memory_space<vmem>>
        tpu.enqueue_dma source(%dma_start3A_110 : memref<16x128xf32, #tpu.memory_space<vmem>>) target(%dma_start3A_107 : memref<16x128xf32, #tpu.memory_space<vmem_shared>>) target_semaphore(%run_scoped3A : memref<!tpu.dma_semaphore, #tpu.memory_space<semaphore_mem>>)
        %dma_wait3A_111 = arith.constant 0 : i32
        %dma_wait3A_112 = arith.constant 0 : i32
        %dma_wait3A_113 = tpu.memref_slice %arg8[%dma_wait3A_111, %dma_wait3A_112] : memref<80x128xf32, #tpu.memory_space<vmem>> -> memref<16x128xf32, #tpu.memory_space<vmem>>
        %dma_wait3A_114 = arith.constant 9984 : i32
        %dma_wait3A_115 = arith.constant 0 : i32
        %dma_wait3A_116 = tpu.memref_slice %arg17[%dma_wait3A_114, %dma_wait3A_115] : memref<10000x128xf32, #tpu.memory_space<vmem_shared>> -> memref<16x128xf32, #tpu.memory_space<vmem_shared>>
        %dma_wait3A_117 = arith.constant 9984 : i32
        %dma_wait3A_118 = arith.constant 0 : i32
        %dma_wait3A_119 = tpu.memref_slice %arg17[%dma_wait3A_117, %dma_wait3A_118] : memref<10000x128xf32, #tpu.memory_space<vmem_shared>> -> memref<16x128xf32, #tpu.memory_space<vmem_shared>>
        %dma_wait3A_120 = arith.constant 0 : i32
        %dma_wait3A_121 = arith.constant 0 : i32
        %dma_wait3A_122 = tpu.memref_slice %arg8[%dma_wait3A_120, %dma_wait3A_121] : memref<80x128xf32, #tpu.memory_space<vmem>> -> memref<16x128xf32, #tpu.memory_space<vmem>>
        tpu.wait_dma2 semaphore(%run_scoped3A : memref<!tpu.dma_semaphore, #tpu.memory_space<semaphore_mem>>) src(%dma_wait3A_122 : memref<16x128xf32, #tpu.memory_space<vmem>>) dst(%dma_wait3A_119 : memref<16x128xf32, #tpu.memory_space<vmem_shared>>)
        tpu.yield
      }) : () -> ()
    } else {
    }
    %barrier3A = arith.constant 0 : index
    tpu.barrier barrier_id(%barrier3A)
    %scan3A_43 = arith.constant 0 : i32
    %scan3A_44 = arith.constant 0 : i32
    %scan3A_45 = arith.constant 80 : i32
    %scan3A_46 = arith.addi %scan3A_44, %scan3A_45 : i32
    %scan3A_47 = arith.constant 1 : i32
    %scan3A_48 = scf.for %scan3A_99 = %scan3A_44 to %scan3A_46 step %scan3A_47 iter_args(%scan3A_100 = %scan3A_43) -> (i32)  : i32 {
      %broadcast_in_dim3A = arith.constant 1.000000e+00 : f32
      %broadcast_in_dim3A_101 = vector.broadcast %broadcast_in_dim3A : f32 to vector<16xf32>
      %swap3A = arith.index_cast %scan3A_99 : i32 to index
      %swap3A_102 = arith.constant 0 : index
      %swap3A_103 = tpu.vector_load %arg8[%swap3A, %swap3A_102] {strides = array<i32>} : memref<80x128xf32, #tpu.memory_space<vmem>>, vector<1x16xf32>,
      %swap3A_104 = vector.shape_cast %swap3A_103 : vector<1x16xf32> to vector<16xf32>
      %swap3A_105 = vector.shape_cast %broadcast_in_dim3A_101 : vector<16xf32> to vector<1x16xf32>
      tpu.vector_store %arg8[%swap3A, %swap3A_102], %swap3A_105 {strides = array<i32>} : memref<80x128xf32, #tpu.memory_space<vmem>>, vector<1x16xf32>,
      %broadcast_in_dim3A_106 = arith.constant 1.000000e+00 : f32
      %broadcast_in_dim3A_107 = vector.broadcast %broadcast_in_dim3A_106 : f32 to vector<16xf32>
      %swap3A_108 = arith.index_cast %scan3A_99 : i32 to index
      %swap3A_109 = arith.constant 16 : index
      %swap3A_110 = tpu.vector_load %arg8[%swap3A_108, %swap3A_109] {strides = array<i32>} : memref<80x128xf32, #tpu.memory_space<vmem>>, vector<1x16xf32>,
      %swap3A_111 = vector.shape_cast %swap3A_110 : vector<1x16xf32> to vector<16xf32>
      %swap3A_112 = vector.shape_cast %broadcast_in_dim3A_107 : vector<16xf32> to vector<1x16xf32>
      tpu.vector_store %arg8[%swap3A_108, %swap3A_109], %swap3A_112 {strides = array<i32>} : memref<80x128xf32, #tpu.memory_space<vmem>>, vector<1x16xf32>,
      %broadcast_in_dim3A_113 = arith.constant 1.000000e+00 : f32
      %broadcast_in_dim3A_114 = vector.broadcast %broadcast_in_dim3A_113 : f32 to vector<16xf32>
      %swap3A_115 = arith.index_cast %scan3A_99 : i32 to index
      %swap3A_116 = arith.constant 32 : index
      %swap3A_117 = tpu.vector_load %arg8[%swap3A_115, %swap3A_116] {strides = array<i32>} : memref<80x128xf32, #tpu.memory_space<vmem>>, vector<1x16xf32>,
      %swap3A_118 = vector.shape_cast %swap3A_117 : vector<1x16xf32> to vector<16xf32>
      %swap3A_119 = vector.shape_cast %broadcast_in_dim3A_114 : vector<16xf32> to vector<1x16xf32>
      tpu.vector_store %arg8[%swap3A_115, %swap3A_116], %swap3A_119 {strides = array<i32>} : memref<80x128xf32, #tpu.memory_space<vmem>>, vector<1x16xf32>,
      %broadcast_in_dim3A_120 = arith.constant 1.000000e+00 : f32
      %broadcast_in_dim3A_121 = vector.broadcast %broadcast_in_dim3A_120 : f32 to vector<16xf32>
      %swap3A_122 = arith.index_cast %scan3A_99 : i32 to index
      %swap3A_123 = arith.constant 48 : index
      %swap3A_124 = tpu.vector_load %arg8[%swap3A_122, %swap3A_123] {strides = array<i32>} : memref<80x128xf32, #tpu.memory_space<vmem>>, vector<1x16xf32>,
      %swap3A_125 = vector.shape_cast %swap3A_124 : vector<1x16xf32> to vector<16xf32>
      %swap3A_126 = vector.shape_cast %broadcast_in_dim3A_121 : vector<16xf32> to vector<1x16xf32>
      tpu.vector_store %arg8[%swap3A_122, %swap3A_123], %swap3A_126 {strides = array<i32>} : memref<80x128xf32, #tpu.memory_space<vmem>>, vector<1x16xf32>,
      %broadcast_in_dim3A_127 = arith.constant 1.000000e+00 : f32
      %broadcast_in_dim3A_128 = vector.broadcast %broadcast_in_dim3A_127 : f32 to vector<16xf32>
      %swap3A_129 = arith.index_cast %scan3A_99 : i32 to index
      %swap3A_130 = arith.constant 64 : index
      %swap3A_131 = tpu.vector_load %arg8[%swap3A_129, %swap3A_130] {strides = array<i32>} : memref<80x128xf32, #tpu.memory_space<vmem>>, vector<1x16xf32>,
      %swap3A_132 = vector.shape_cast %swap3A_131 : vector<1x16xf32> to vector<16xf32>
      %swap3A_133 = vector.shape_cast %broadcast_in_dim3A_128 : vector<16xf32> to vector<1x16xf32>
      tpu.vector_store %arg8[%swap3A_129, %swap3A_130], %swap3A_133 {strides = array<i32>} : memref<80x128xf32, #tpu.memory_space<vmem>>, vector<1x16xf32>,
      %broadcast_in_dim3A_134 = arith.constant 1.000000e+00 : f32
      %broadcast_in_dim3A_135 = vector.broadcast %broadcast_in_dim3A_134 : f32 to vector<16xf32>
      %swap3A_136 = arith.index_cast %scan3A_99 : i32 to index
      %swap3A_137 = arith.constant 80 : index
      %swap3A_138 = tpu.vector_load %arg8[%swap3A_136, %swap3A_137] {strides = array<i32>} : memref<80x128xf32, #tpu.memory_space<vmem>>, vector<1x16xf32>,
      %swap3A_139 = vector.shape_cast %swap3A_138 : vector<1x16xf32> to vector<16xf32>
      %swap3A_140 = vector.shape_cast %broadcast_in_dim3A_135 : vector<16xf32> to vector<1x16xf32>
      tpu.vector_store %arg8[%swap3A_136, %swap3A_137], %swap3A_140 {strides = array<i32>} : memref<80x128xf32, #tpu.memory_space<vmem>>, vector<1x16xf32>,
      %broadcast_in_dim3A_141 = arith.constant 1.000000e+00 : f32
      %broadcast_in_dim3A_142 = vector.broadcast %broadcast_in_dim3A_141 : f32 to vector<16xf32>
      %swap3A_143 = arith.index_cast %scan3A_99 : i32 to index
      %swap3A_144 = arith.constant 96 : index
      %swap3A_145 = tpu.vector_load %arg8[%swap3A_143, %swap3A_144] {strides = array<i32>} : memref<80x128xf32, #tpu.memory_space<vmem>>, vector<1x16xf32>,
      %swap3A_146 = vector.shape_cast %swap3A_145 : vector<1x16xf32> to vector<16xf32>
      %swap3A_147 = vector.shape_cast %broadcast_in_dim3A_142 : vector<16xf32> to vector<1x16xf32>
      tpu.vector_store %arg8[%swap3A_143, %swap3A_144], %swap3A_147 {strides = array<i32>} : memref<80x128xf32, #tpu.memory_space<vmem>>, vector<1x16xf32>,
      %broadcast_in_dim3A_148 = arith.constant 1.000000e+00 : f32
      %broadcast_in_dim3A_149 = vector.broadcast %broadcast_in_dim3A_148 : f32 to vector<16xf32>
      %swap3A_150 = arith.index_cast %scan3A_99 : i32 to index
      %swap3A_151 = arith.constant 112 : index
      %swap3A_152 = tpu.vector_load %arg8[%swap3A_150, %swap3A_151] {strides = array<i32>} : memref<80x128xf32, #tpu.memory_space<vmem>>, vector<1x16xf32>,
      %swap3A_153 = vector.shape_cast %swap3A_152 : vector<1x16xf32> to vector<16xf32>
      %swap3A_154 = vector.shape_cast %broadcast_in_dim3A_149 : vector<16xf32> to vector<1x16xf32>
      tpu.vector_store %arg8[%swap3A_150, %swap3A_151], %swap3A_154 {strides = array<i32>} : memref<80x128xf32, #tpu.memory_space<vmem>>, vector<1x16xf32>,
      %scan3A_155 = arith.constant 0 : i32
      scf.yield %scan3A_155 : i32
    }
    %scan3A_49 = arith.constant 80 : i32
    %add3A_50 = arith.constant 0 : i32
    %add3A_51 = arith.addi %mul3A_2, %add3A_50 : i32
    %multiple_of3A = tpu.assume_multiple %add3A_51, 8 : i32
    %dma_start3A = tpu.memref_slice %arg2[%multiple_of3A] : memref<320000xi32, #tpu.memory_space<hbm>> -> memref<80xi32, #tpu.memory_space<hbm>>
    %dma_start3A_52 = tpu.memref_slice %arg2[%multiple_of3A] : memref<320000xi32, #tpu.memory_space<hbm>> -> memref<80xi32, #tpu.memory_space<hbm>>
    tpu.enqueue_dma source(%dma_start3A_52 : memref<80xi32, #tpu.memory_space<hbm>>) target(%arg4 : memref<80xi32, #tpu.memory_space<vmem>>) target_semaphore(%arg9 : memref<!tpu.dma_semaphore, #tpu.memory_space<semaphore_mem>>)
    %add3A_53 = arith.constant 80 : i32
    %add3A_54 = arith.addi %mul3A_2, %add3A_53 : i32
    %multiple_of3A_55 = tpu.assume_multiple %add3A_54, 8 : i32
    %dma_start3A_56 = tpu.memref_slice %arg2[%multiple_of3A_55] : memref<320000xi32, #tpu.memory_space<hbm>> -> memref<80xi32, #tpu.memory_space<hbm>>
    %dma_start3A_57 = tpu.memref_slice %arg2[%multiple_of3A_55] : memref<320000xi32, #tpu.memory_space<hbm>> -> memref<80xi32, #tpu.memory_space<hbm>>
    tpu.enqueue_dma source(%dma_start3A_57 : memref<80xi32, #tpu.memory_space<hbm>>) target(%arg5 : memref<80xi32, #tpu.memory_space<vmem>>) target_semaphore(%arg10 : memref<!tpu.dma_semaphore, #tpu.memory_space<semaphore_mem>>)
    %add3A_58 = arith.constant 160 : i32
    %add3A_59 = arith.addi %mul3A_2, %add3A_58 : i32
    %multiple_of3A_60 = tpu.assume_multiple %add3A_59, 8 : i32
    %dma_start3A_61 = tpu.memref_slice %arg2[%multiple_of3A_60] : memref<320000xi32, #tpu.memory_space<hbm>> -> memref<80xi32, #tpu.memory_space<hbm>>
    %dma_start3A_62 = tpu.memref_slice %arg2[%multiple_of3A_60] : memref<320000xi32, #tpu.memory_space<hbm>> -> memref<80xi32, #tpu.memory_space<hbm>>
    tpu.enqueue_dma source(%dma_start3A_62 : memref<80xi32, #tpu.memory_space<hbm>>) target(%arg6 : memref<80xi32, #tpu.memory_space<vmem>>) target_semaphore(%arg11 : memref<!tpu.dma_semaphore, #tpu.memory_space<semaphore_mem>>)
    %add3A_63 = arith.constant 240 : i32
    %add3A_64 = arith.addi %mul3A_2, %add3A_63 : i32
    %multiple_of3A_65 = tpu.assume_multiple %add3A_64, 8 : i32
    %dma_start3A_66 = tpu.memref_slice %arg2[%multiple_of3A_65] : memref<320000xi32, #tpu.memory_space<hbm>> -> memref<80xi32, #tpu.memory_space<hbm>>
    %dma_start3A_67 = tpu.memref_slice %arg2[%multiple_of3A_65] : memref<320000xi32, #tpu.memory_space<hbm>> -> memref<80xi32, #tpu.memory_space<hbm>>
    tpu.enqueue_dma source(%dma_start3A_67 : memref<80xi32, #tpu.memory_space<hbm>>) target(%arg7 : memref<80xi32, #tpu.memory_space<vmem>>) target_semaphore(%arg12 : memref<!tpu.dma_semaphore, #tpu.memory_space<semaphore_mem>>)
    %scan3A_68 = arith.constant 0 : i32
    %scan3A_69 = arith.constant 0 : i32
    %scan3A_70 = arith.constant 31 : i32
    %scan3A_71 = arith.addi %scan3A_69, %scan3A_70 : i32
    %scan3A_72 = arith.constant 1 : i32
    %scan3A_73 = scf.for %scan3A_99 = %scan3A_69 to %scan3A_71 step %scan3A_72 iter_args(%scan3A_100 = %scan3A_68) -> (i32)  : i32 {
      %dma_wait3A_101 = tpu.memref_slice %arg2[%mul3A_2] : memref<320000xi32, #tpu.memory_space<hbm>> -> memref<80xi32, #tpu.memory_space<hbm>>
      %dma_wait3A_102 = tpu.memref_slice %arg2[%mul3A_2] : memref<320000xi32, #tpu.memory_space<hbm>> -> memref<80xi32, #tpu.memory_space<hbm>>
      tpu.wait_dma2 semaphore(%arg9 : memref<!tpu.dma_semaphore, #tpu.memory_space<semaphore_mem>>) src(%dma_wait3A_102 : memref<80xi32, #tpu.memory_space<hbm>>) dst(%arg4 : memref<80xi32, #tpu.memory_space<vmem>>)
      %dma_start3A_103 = arith.constant 0 : i32
      %dma_start3A_104 = arith.constant 0 : i32
      %dma_start3A_105 = tpu.memref_slice %arg17[%dma_start3A_103, %dma_start3A_104] : memref<10000x128xf32, #tpu.memory_space<vmem_shared>> -> memref<10000x128xf32, #tpu.memory_space<vmem_shared>>
      tpu.enqueue_indirect_dma source(%arg8 : memref<80x128xf32, #tpu.memory_space<vmem>>) target(%dma_start3A_105 : memref<10000x128xf32, #tpu.memory_space<vmem_shared>>) offsets(%arg4 : memref<80xi32, #tpu.memory_space<vmem>>) semaphore(%arg13 : memref<!tpu.dma_semaphore, #tpu.memory_space<semaphore_mem>>) {add = true}
      %dma_wait3A_106 = tpu.memref_slice %arg2[%mul3A_2] : memref<320000xi32, #tpu.memory_space<hbm>> -> memref<80xi32, #tpu.memory_space<hbm>>
      %dma_wait3A_107 = tpu.memref_slice %arg2[%mul3A_2] : memref<320000xi32, #tpu.memory_space<hbm>> -> memref<80xi32, #tpu.memory_space<hbm>>
      tpu.wait_dma2 semaphore(%arg10 : memref<!tpu.dma_semaphore, #tpu.memory_space<semaphore_mem>>) src(%dma_wait3A_107 : memref<80xi32, #tpu.memory_space<hbm>>) dst(%arg5 : memref<80xi32, #tpu.memory_space<vmem>>)
      %dma_start3A_108 = arith.constant 0 : i32
      %dma_start3A_109 = arith.constant 0 : i32
      %dma_start3A_110 = tpu.memref_slice %arg17[%dma_start3A_108, %dma_start3A_109] : memref<10000x128xf32, #tpu.memory_space<vmem_shared>> -> memref<10000x128xf32, #tpu.memory_space<vmem_shared>>
      tpu.enqueue_indirect_dma source(%arg8 : memref<80x128xf32, #tpu.memory_space<vmem>>) target(%dma_start3A_110 : memref<10000x128xf32, #tpu.memory_space<vmem_shared>>) offsets(%arg5 : memref<80xi32, #tpu.memory_space<vmem>>) semaphore(%arg14 : memref<!tpu.dma_semaphore, #tpu.memory_space<semaphore_mem>>) {add = true}
      %dma_wait3A_111 = tpu.memref_slice %arg2[%mul3A_2] : memref<320000xi32, #tpu.memory_space<hbm>> -> memref<80xi32, #tpu.memory_space<hbm>>
      %dma_wait3A_112 = tpu.memref_slice %arg2[%mul3A_2] : memref<320000xi32, #tpu.memory_space<hbm>> -> memref<80xi32, #tpu.memory_space<hbm>>
      tpu.wait_dma2 semaphore(%arg11 : memref<!tpu.dma_semaphore, #tpu.memory_space<semaphore_mem>>) src(%dma_wait3A_112 : memref<80xi32, #tpu.memory_space<hbm>>) dst(%arg6 : memref<80xi32, #tpu.memory_space<vmem>>)
      %dma_start3A_113 = arith.constant 0 : i32
      %dma_start3A_114 = arith.constant 0 : i32
      %dma_start3A_115 = tpu.memref_slice %arg17[%dma_start3A_113, %dma_start3A_114] : memref<10000x128xf32, #tpu.memory_space<vmem_shared>> -> memref<10000x128xf32, #tpu.memory_space<vmem_shared>>
      tpu.enqueue_indirect_dma source(%arg8 : memref<80x128xf32, #tpu.memory_space<vmem>>) target(%dma_start3A_115 : memref<10000x128xf32, #tpu.memory_space<vmem_shared>>) offsets(%arg6 : memref<80xi32, #tpu.memory_space<vmem>>) semaphore(%arg15 : memref<!tpu.dma_semaphore, #tpu.memory_space<semaphore_mem>>) {add = true}
      %dma_wait3A_116 = tpu.memref_slice %arg2[%mul3A_2] : memref<320000xi32, #tpu.memory_space<hbm>> -> memref<80xi32, #tpu.memory_space<hbm>>
      %dma_wait3A_117 = tpu.memref_slice %arg2[%mul3A_2] : memref<320000xi32, #tpu.memory_space<hbm>> -> memref<80xi32, #tpu.memory_space<hbm>>
      tpu.wait_dma2 semaphore(%arg12 : memref<!tpu.dma_semaphore, #tpu.memory_space<semaphore_mem>>) src(%dma_wait3A_117 : memref<80xi32, #tpu.memory_space<hbm>>) dst(%arg7 : memref<80xi32, #tpu.memory_space<vmem>>)
      %dma_start3A_118 = arith.constant 0 : i32
      %dma_start3A_119 = arith.constant 0 : i32
      %dma_start3A_120 = tpu.memref_slice %arg17[%dma_start3A_118, %dma_start3A_119] : memref<10000x128xf32, #tpu.memory_space<vmem_shared>> -> memref<10000x128xf32, #tpu.memory_space<vmem_shared>>
      tpu.enqueue_indirect_dma source(%arg8 : memref<80x128xf32, #tpu.memory_space<vmem>>) target(%dma_start3A_120 : memref<10000x128xf32, #tpu.memory_space<vmem_shared>>) offsets(%arg7 : memref<80xi32, #tpu.memory_space<vmem>>) semaphore(%arg16 : memref<!tpu.dma_semaphore, #tpu.memory_space<semaphore_mem>>) {add = true}
      %mul3A_121 = arith.constant 4 : i32
      %mul3A_122 = arith.muli %scan3A_99, %mul3A_121 : i32
      %add3A_123 = arith.constant 0 : i32
      %add3A_124 = arith.addi %mul3A_122, %add3A_123 : i32
      %add3A_125 = arith.constant 4 : i32
      %add3A_126 = arith.addi %add3A_124, %add3A_125 : i32
      %lt3A = arith.constant 124 : i32
      %lt3A_127 = arith.cmpi slt, %add3A_126, %lt3A : i32
      %convert_element_type3A_128 = arith.extui %lt3A_127 : i1 to i32
      %cond3A_129 = arith.constant 0 : i32
      %cond3A_130 = arith.cmpi ne, %convert_element_type3A_128, %cond3A_129 : i32
      scf.if %cond3A_130 {
        %dma_wait3A_165 = arith.constant 0 : i32
        %dma_wait3A_166 = arith.constant 0 : i32
        %dma_wait3A_167 = tpu.memref_slice %arg17[%dma_wait3A_165, %dma_wait3A_166] : memref<10000x128xf32, #tpu.memory_space<vmem_shared>> -> memref<10000x128xf32, #tpu.memory_space<vmem_shared>>
        tpu.wait_indirect_dma semaphore(%arg13 : memref<!tpu.dma_semaphore, #tpu.memory_space<semaphore_mem>>) src(%arg8 : memref<80x128xf32, #tpu.memory_space<vmem>>) dst(%dma_wait3A_167 : memref<10000x128xf32, #tpu.memory_space<vmem_shared>>)
        %mul3A_168 = arith.constant 80 : i32
        %mul3A_169 = arith.muli %add3A_126, %mul3A_168 : i32
        %add3A_170 = arith.addi %mul3A_2, %mul3A_169 : i32
        %multiple_of3A_171 = tpu.assume_multiple %add3A_170, 8 : i32
        %dma_start3A_172 = tpu.memref_slice %arg2[%multiple_of3A_171] : memref<320000xi32, #tpu.memory_space<hbm>> -> memref<80xi32, #tpu.memory_space<hbm>>
        %dma_start3A_173 = tpu.memref_slice %arg2[%multiple_of3A_171] : memref<320000xi32, #tpu.memory_space<hbm>> -> memref<80xi32, #tpu.memory_space<hbm>>
        tpu.enqueue_dma source(%dma_start3A_173 : memref<80xi32, #tpu.memory_space<hbm>>) target(%arg4 : memref<80xi32, #tpu.memory_space<vmem>>) target_semaphore(%arg9 : memref<!tpu.dma_semaphore, #tpu.memory_space<semaphore_mem>>)
      } else {
      }
      %mul3A_131 = arith.constant 4 : i32
      %mul3A_132 = arith.muli %scan3A_99, %mul3A_131 : i32
      %add3A_133 = arith.constant 1 : i32
      %add3A_134 = arith.addi %mul3A_132, %add3A_133 : i32
      %add3A_135 = arith.constant 4 : i32
      %add3A_136 = arith.addi %add3A_134, %add3A_135 : i32
      %lt3A_137 = arith.constant 124 : i32
      %lt3A_138 = arith.cmpi slt, %add3A_136, %lt3A_137 : i32
      %convert_element_type3A_139 = arith.extui %lt3A_138 : i1 to i32
      %cond3A_140 = arith.constant 0 : i32
      %cond3A_141 = arith.cmpi ne, %convert_element_type3A_139, %cond3A_140 : i32
      scf.if %cond3A_141 {
        %dma_wait3A_165 = arith.constant 0 : i32
        %dma_wait3A_166 = arith.constant 0 : i32
        %dma_wait3A_167 = tpu.memref_slice %arg17[%dma_wait3A_165, %dma_wait3A_166] : memref<10000x128xf32, #tpu.memory_space<vmem_shared>> -> memref<10000x128xf32, #tpu.memory_space<vmem_shared>>
        tpu.wait_indirect_dma semaphore(%arg14 : memref<!tpu.dma_semaphore, #tpu.memory_space<semaphore_mem>>) src(%arg8 : memref<80x128xf32, #tpu.memory_space<vmem>>) dst(%dma_wait3A_167 : memref<10000x128xf32, #tpu.memory_space<vmem_shared>>)
        %mul3A_168 = arith.constant 80 : i32
        %mul3A_169 = arith.muli %add3A_136, %mul3A_168 : i32
        %add3A_170 = arith.addi %mul3A_2, %mul3A_169 : i32
        %multiple_of3A_171 = tpu.assume_multiple %add3A_170, 8 : i32
        %dma_start3A_172 = tpu.memref_slice %arg2[%multiple_of3A_171] : memref<320000xi32, #tpu.memory_space<hbm>> -> memref<80xi32, #tpu.memory_space<hbm>>
        %dma_start3A_173 = tpu.memref_slice %arg2[%multiple_of3A_171] : memref<320000xi32, #tpu.memory_space<hbm>> -> memref<80xi32, #tpu.memory_space<hbm>>
        tpu.enqueue_dma source(%dma_start3A_173 : memref<80xi32, #tpu.memory_space<hbm>>) target(%arg5 : memref<80xi32, #tpu.memory_space<vmem>>) target_semaphore(%arg10 : memref<!tpu.dma_semaphore, #tpu.memory_space<semaphore_mem>>)
      } else {
      }
      %mul3A_142 = arith.constant 4 : i32
      %mul3A_143 = arith.muli %scan3A_99, %mul3A_142 : i32
      %add3A_144 = arith.constant 2 : i32
      %add3A_145 = arith.addi %mul3A_143, %add3A_144 : i32
      %add3A_146 = arith.constant 4 : i32
      %add3A_147 = arith.addi %add3A_145, %add3A_146 : i32
      %lt3A_148 = arith.constant 124 : i32
      %lt3A_149 = arith.cmpi slt, %add3A_147, %lt3A_148 : i32
      %convert_element_type3A_150 = arith.extui %lt3A_149 : i1 to i32
      %cond3A_151 = arith.constant 0 : i32
      %cond3A_152 = arith.cmpi ne, %convert_element_type3A_150, %cond3A_151 : i32
      scf.if %cond3A_152 {
        %dma_wait3A_165 = arith.constant 0 : i32
        %dma_wait3A_166 = arith.constant 0 : i32
        %dma_wait3A_167 = tpu.memref_slice %arg17[%dma_wait3A_165, %dma_wait3A_166] : memref<10000x128xf32, #tpu.memory_space<vmem_shared>> -> memref<10000x128xf32, #tpu.memory_space<vmem_shared>>
        tpu.wait_indirect_dma semaphore(%arg15 : memref<!tpu.dma_semaphore, #tpu.memory_space<semaphore_mem>>) src(%arg8 : memref<80x128xf32, #tpu.memory_space<vmem>>) dst(%dma_wait3A_167 : memref<10000x128xf32, #tpu.memory_space<vmem_shared>>)
        %mul3A_168 = arith.constant 80 : i32
        %mul3A_169 = arith.muli %add3A_147, %mul3A_168 : i32
        %add3A_170 = arith.addi %mul3A_2, %mul3A_169 : i32
        %multiple_of3A_171 = tpu.assume_multiple %add3A_170, 8 : i32
        %dma_start3A_172 = tpu.memref_slice %arg2[%multiple_of3A_171] : memref<320000xi32, #tpu.memory_space<hbm>> -> memref<80xi32, #tpu.memory_space<hbm>>
        %dma_start3A_173 = tpu.memref_slice %arg2[%multiple_of3A_171] : memref<320000xi32, #tpu.memory_space<hbm>> -> memref<80xi32, #tpu.memory_space<hbm>>
        tpu.enqueue_dma source(%dma_start3A_173 : memref<80xi32, #tpu.memory_space<hbm>>) target(%arg6 : memref<80xi32, #tpu.memory_space<vmem>>) target_semaphore(%arg11 : memref<!tpu.dma_semaphore, #tpu.memory_space<semaphore_mem>>)
      } else {
      }
      %mul3A_153 = arith.constant 4 : i32
      %mul3A_154 = arith.muli %scan3A_99, %mul3A_153 : i32
      %add3A_155 = arith.constant 3 : i32
      %add3A_156 = arith.addi %mul3A_154, %add3A_155 : i32
      %add3A_157 = arith.constant 4 : i32
      %add3A_158 = arith.addi %add3A_156, %add3A_157 : i32
      %lt3A_159 = arith.constant 124 : i32
      %lt3A_160 = arith.cmpi slt, %add3A_158, %lt3A_159 : i32
      %convert_element_type3A_161 = arith.extui %lt3A_160 : i1 to i32
      %cond3A_162 = arith.constant 0 : i32
      %cond3A_163 = arith.cmpi ne, %convert_element_type3A_161, %cond3A_162 : i32
      scf.if %cond3A_163 {
        %dma_wait3A_165 = arith.constant 0 : i32
        %dma_wait3A_166 = arith.constant 0 : i32
        %dma_wait3A_167 = tpu.memref_slice %arg17[%dma_wait3A_165, %dma_wait3A_166] : memref<10000x128xf32, #tpu.memory_space<vmem_shared>> -> memref<10000x128xf32, #tpu.memory_space<vmem_shared>>
        tpu.wait_indirect_dma semaphore(%arg16 : memref<!tpu.dma_semaphore, #tpu.memory_space<semaphore_mem>>) src(%arg8 : memref<80x128xf32, #tpu.memory_space<vmem>>) dst(%dma_wait3A_167 : memref<10000x128xf32, #tpu.memory_space<vmem_shared>>)
        %mul3A_168 = arith.constant 80 : i32
        %mul3A_169 = arith.muli %add3A_158, %mul3A_168 : i32
        %add3A_170 = arith.addi %mul3A_2, %mul3A_169 : i32
        %multiple_of3A_171 = tpu.assume_multiple %add3A_170, 8 : i32
        %dma_start3A_172 = tpu.memref_slice %arg2[%multiple_of3A_171] : memref<320000xi32, #tpu.memory_space<hbm>> -> memref<80xi32, #tpu.memory_space<hbm>>
        %dma_start3A_173 = tpu.memref_slice %arg2[%multiple_of3A_171] : memref<320000xi32, #tpu.memory_space<hbm>> -> memref<80xi32, #tpu.memory_space<hbm>>
        tpu.enqueue_dma source(%dma_start3A_173 : memref<80xi32, #tpu.memory_space<hbm>>) target(%arg7 : memref<80xi32, #tpu.memory_space<vmem>>) target_semaphore(%arg12 : memref<!tpu.dma_semaphore, #tpu.memory_space<semaphore_mem>>)
      } else {
      }
      %scan3A_164 = arith.constant 0 : i32
      scf.yield %scan3A_164 : i32
    }
    %scan3A_74 = arith.constant 31 : i32
    %dma_wait3A = arith.constant 0 : i32
    %dma_wait3A_75 = arith.constant 0 : i32
    %dma_wait3A_76 = tpu.memref_slice %arg17[%dma_wait3A, %dma_wait3A_75] : memref<10000x128xf32, #tpu.memory_space<vmem_shared>> -> memref<10000x128xf32, #tpu.memory_space<vmem_shared>>
    tpu.wait_indirect_dma semaphore(%arg13 : memref<!tpu.dma_semaphore, #tpu.memory_space<semaphore_mem>>) src(%arg8 : memref<80x128xf32, #tpu.memory_space<vmem>>) dst(%dma_wait3A_76 : memref<10000x128xf32, #tpu.memory_space<vmem_shared>>)
    %dma_wait3A_77 = arith.constant 0 : i32
    %dma_wait3A_78 = arith.constant 0 : i32
    %dma_wait3A_79 = tpu.memref_slice %arg17[%dma_wait3A_77, %dma_wait3A_78] : memref<10000x128xf32, #tpu.memory_space<vmem_shared>> -> memref<10000x128xf32, #tpu.memory_space<vmem_shared>>
    tpu.wait_indirect_dma semaphore(%arg14 : memref<!tpu.dma_semaphore, #tpu.memory_space<semaphore_mem>>) src(%arg8 : memref<80x128xf32, #tpu.memory_space<vmem>>) dst(%dma_wait3A_79 : memref<10000x128xf32, #tpu.memory_space<vmem_shared>>)
    %dma_wait3A_80 = arith.constant 0 : i32
    %dma_wait3A_81 = arith.constant 0 : i32
    %dma_wait3A_82 = tpu.memref_slice %arg17[%dma_wait3A_80, %dma_wait3A_81] : memref<10000x128xf32, #tpu.memory_space<vmem_shared>> -> memref<10000x128xf32, #tpu.memory_space<vmem_shared>>
    tpu.wait_indirect_dma semaphore(%arg15 : memref<!tpu.dma_semaphore, #tpu.memory_space<semaphore_mem>>) src(%arg8 : memref<80x128xf32, #tpu.memory_space<vmem>>) dst(%dma_wait3A_82 : memref<10000x128xf32, #tpu.memory_space<vmem_shared>>)
    %dma_wait3A_83 = arith.constant 0 : i32
    %dma_wait3A_84 = arith.constant 0 : i32
    %dma_wait3A_85 = tpu.memref_slice %arg17[%dma_wait3A_83, %dma_wait3A_84] : memref<10000x128xf32, #tpu.memory_space<vmem_shared>> -> memref<10000x128xf32, #tpu.memory_space<vmem_shared>>
    tpu.wait_indirect_dma semaphore(%arg16 : memref<!tpu.dma_semaphore, #tpu.memory_space<semaphore_mem>>) src(%arg8 : memref<80x128xf32, #tpu.memory_space<vmem>>) dst(%dma_wait3A_85 : memref<10000x128xf32, #tpu.memory_space<vmem_shared>>)
    %add3A_86 = arith.constant 9920 : i32
    %add3A_87 = arith.addi %mul3A_2, %add3A_86 : i32
    %multiple_of3A_88 = tpu.assume_multiple %add3A_87, 8 : i32
    "tpu.region"() ({
      %run_scoped3A = tpu.sem_alloc : memref<!tpu.dma_semaphore, #tpu.memory_space<semaphore_mem>>
      %dma_start3A_99 = tpu.memref_slice %arg2[%multiple_of3A_88] : memref<320000xi32, #tpu.memory_space<hbm>> -> memref<80xi32, #tpu.memory_space<hbm>>
      %dma_start3A_100 = tpu.memref_slice %arg2[%multiple_of3A_88] : memref<320000xi32, #tpu.memory_space<hbm>> -> memref<80xi32, #tpu.memory_space<hbm>>
      tpu.enqueue_dma source(%dma_start3A_100 : memref<80xi32, #tpu.memory_space<hbm>>) target(%arg4 : memref<80xi32, #tpu.memory_space<vmem>>) target_semaphore(%run_scoped3A : memref<!tpu.dma_semaphore, #tpu.memory_space<semaphore_mem>>)
      %dma_wait3A_101 = tpu.memref_slice %arg2[%multiple_of3A_88] : memref<320000xi32, #tpu.memory_space<hbm>> -> memref<80xi32, #tpu.memory_space<hbm>>
      %dma_wait3A_102 = tpu.memref_slice %arg2[%multiple_of3A_88] : memref<320000xi32, #tpu.memory_space<hbm>> -> memref<80xi32, #tpu.memory_space<hbm>>
      tpu.wait_dma2 semaphore(%run_scoped3A : memref<!tpu.dma_semaphore, #tpu.memory_space<semaphore_mem>>) src(%dma_wait3A_102 : memref<80xi32, #tpu.memory_space<hbm>>) dst(%arg4 : memref<80xi32, #tpu.memory_space<vmem>>)
      tpu.yield
    }) : () -> ()
    "tpu.region"() ({
      %run_scoped3A = tpu.sem_alloc : memref<!tpu.dma_semaphore, #tpu.memory_space<semaphore_mem>>
      %dma_start3A_99 = arith.constant 0 : i32
      %dma_start3A_100 = arith.constant 0 : i32
      %dma_start3A_101 = tpu.memref_slice %arg17[%dma_start3A_99, %dma_start3A_100] : memref<10000x128xf32, #tpu.memory_space<vmem_shared>> -> memref<10000x128xf32, #tpu.memory_space<vmem_shared>>
      tpu.enqueue_indirect_dma source(%arg8 : memref<80x128xf32, #tpu.memory_space<vmem>>) target(%dma_start3A_101 : memref<10000x128xf32, #tpu.memory_space<vmem_shared>>) offsets(%arg4 : memref<80xi32, #tpu.memory_space<vmem>>) semaphore(%run_scoped3A : memref<!tpu.dma_semaphore, #tpu.memory_space<semaphore_mem>>) {add = true}
      %dma_wait3A_102 = arith.constant 0 : i32
      %dma_wait3A_103 = arith.constant 0 : i32
      %dma_wait3A_104 = tpu.memref_slice %arg17[%dma_wait3A_102, %dma_wait3A_103] : memref<10000x128xf32, #tpu.memory_space<vmem_shared>> -> memref<10000x128xf32, #tpu.memory_space<vmem_shared>>
      tpu.wait_indirect_dma semaphore(%run_scoped3A : memref<!tpu.dma_semaphore, #tpu.memory_space<semaphore_mem>>) src(%arg8 : memref<80x128xf32, #tpu.memory_space<vmem>>) dst(%dma_wait3A_104 : memref<10000x128xf32, #tpu.memory_space<vmem_shared>>)
      tpu.yield
    }) : () -> ()
    %barrier3A_89 = arith.constant 0 : index
    tpu.barrier barrier_id(%barrier3A_89)
    %mul3A_90 = arith.constant 624 : i32
    %mul3A_91 = arith.muli %arg1, %mul3A_90 : i32
    %mul3A_92 = arith.constant 624 : i32
    %mul3A_93 = arith.muli %arg1, %mul3A_92 : i32
    "tpu.region"() ({
      %run_scoped3A = tpu.sem_alloc : memref<!tpu.dma_semaphore, #tpu.memory_space<semaphore_mem>>
      %dma_start3A_99 = arith.constant 0 : i32
      %dma_start3A_100 = tpu.memref_slice %arg3[%arg0, %mul3A_93, %dma_start3A_99] : memref<2x10000x128xf32, #tpu.memory_space<hbm>> -> memref<1x624x128xf32, #tpu.memory_space<hbm>>
      %dma_start3A_101 = tpu.memref_squeeze %dma_start3A_100 : memref<1x624x128xf32, #tpu.memory_space<hbm>> -> memref<624x128xf32, #tpu.memory_space<hbm>>
      %dma_start3A_102 = arith.constant 0 : i32
      %dma_start3A_103 = tpu.memref_slice %arg17[%mul3A_91, %dma_start3A_102] : memref<10000x128xf32, #tpu.memory_space<vmem_shared>> -> memref<624x128xf32, #tpu.memory_space<vmem_shared>>
      tpu.enqueue_dma source(%dma_start3A_103 : memref<624x128xf32, #tpu.memory_space<vmem_shared>>) target(%dma_start3A_101 : memref<624x128xf32, #tpu.memory_space<hbm>>) target_semaphore(%run_scoped3A : memref<!tpu.dma_semaphore, #tpu.memory_space<semaphore_mem>>)
      %dma_wait3A_104 = arith.constant 0 : i32
      %dma_wait3A_105 = tpu.memref_slice %arg3[%arg0, %mul3A_93, %dma_wait3A_104] : memref<2x10000x128xf32, #tpu.memory_space<hbm>> -> memref<1x624x128xf32, #tpu.memory_space<hbm>>
      %dma_wait3A_106 = tpu.memref_squeeze %dma_wait3A_105 : memref<1x624x128xf32, #tpu.memory_space<hbm>> -> memref<624x128xf32, #tpu.memory_space<hbm>>
      %dma_wait3A_107 = arith.constant 0 : i32
      %dma_wait3A_108 = tpu.memref_slice %arg17[%mul3A_91, %dma_wait3A_107] : memref<10000x128xf32, #tpu.memory_space<vmem_shared>> -> memref<624x128xf32, #tpu.memory_space<vmem_shared>>
      tpu.wait_dma2 semaphore(%run_scoped3A : memref<!tpu.dma_semaphore, #tpu.memory_space<semaphore_mem>>) src(%dma_wait3A_108 : memref<624x128xf32, #tpu.memory_space<vmem_shared>>) dst(%dma_wait3A_106 : memref<624x128xf32, #tpu.memory_space<hbm>>)
      tpu.yield
    }) : () -> ()
    %eq3A_94 = arith.constant 15 : i32
    %eq3A_95 = arith.cmpi eq, %arg1, %eq3A_94 : i32
    %convert_element_type3A_96 = arith.extui %eq3A_95 : i1 to i32
    %cond3A_97 = arith.constant 0 : i32
    %cond3A_98 = arith.cmpi ne, %convert_element_type3A_96, %cond3A_97 : i32
    scf.if %cond3A_98 {
      "tpu.region"() ({
        %run_scoped3A = tpu.sem_alloc : memref<!tpu.dma_semaphore, #tpu.memory_space<semaphore_mem>>
        %dma_start3A_99 = arith.constant 9984 : i32
        %dma_start3A_100 = arith.constant 0 : i32
        %dma_start3A_101 = tpu.memref_slice %arg3[%arg0, %dma_start3A_99, %dma_start3A_100] : memref<2x10000x128xf32, #tpu.memory_space<hbm>> -> memref<1x16x128xf32, #tpu.memory_space<hbm>>
        %dma_start3A_102 = tpu.memref_squeeze %dma_start3A_101 : memref<1x16x128xf32, #tpu.memory_space<hbm>> -> memref<16x128xf32, #tpu.memory_space<hbm>>
        %dma_start3A_103 = arith.constant 9984 : i32
        %dma_start3A_104 = arith.constant 0 : i32
        %dma_start3A_105 = tpu.memref_slice %arg17[%dma_start3A_103, %dma_start3A_104] : memref<10000x128xf32, #tpu.memory_space<vmem_shared>> -> memref<16x128xf32, #tpu.memory_space<vmem_shared>>
        tpu.enqueue_dma source(%dma_start3A_105 : memref<16x128xf32, #tpu.memory_space<vmem_shared>>) target(%dma_start3A_102 : memref<16x128xf32, #tpu.memory_space<hbm>>) target_semaphore(%run_scoped3A : memref<!tpu.dma_semaphore, #tpu.memory_space<semaphore_mem>>)
        %dma_wait3A_106 = arith.constant 9984 : i32
        %dma_wait3A_107 = arith.constant 0 : i32
        %dma_wait3A_108 = tpu.memref_slice %arg3[%arg0, %dma_wait3A_106, %dma_wait3A_107] : memref<2x10000x128xf32, #tpu.memory_space<hbm>> -> memref<1x16x128xf32, #tpu.memory_space<hbm>>
        %dma_wait3A_109 = tpu.memref_squeeze %dma_wait3A_108 : memref<1x16x128xf32, #tpu.memory_space<hbm>> -> memref<16x128xf32, #tpu.memory_space<hbm>>
        %dma_wait3A_110 = arith.constant 9984 : i32
        %dma_wait3A_111 = arith.constant 0 : i32
        %dma_wait3A_112 = tpu.memref_slice %arg17[%dma_wait3A_110, %dma_wait3A_111] : memref<10000x128xf32, #tpu.memory_space<vmem_shared>> -> memref<16x128xf32, #tpu.memory_space<vmem_shared>>
        tpu.wait_dma2 semaphore(%run_scoped3A : memref<!tpu.dma_semaphore, #tpu.memory_space<semaphore_mem>>) src(%dma_wait3A_112 : memref<16x128xf32, #tpu.memory_space<vmem_shared>>) dst(%dma_wait3A_109 : memref<16x128xf32, #tpu.memory_space<hbm>>)
        tpu.yield
      }) : () -> ()
    } else {
    }
    return
  }
}

</mosaic_0001>

<sc_bundles>
// kernel: _sc_hist.3.cloned.1.call-start
scs
__scs_entry_jumppad:
0x0: {  	(pc) =	sbr.rel $0x88, $3  }
0x1: {  	(tag) =	ssettag $0x0;
	lr =	simm.s32 $0x1  }
0x2: {  	[smem:$0x3FA0] =	sst lr;
	_ =	strace $0xD0000000  }
0x3: {  	_ = 	snop  }
0x4: {  	_ = 	snop  }
0x5: {  	_ = 	snop  }
0x6: {  	_ = 	snop  }
0x7: {  	_ = 	snop  }
__scs_overlays_trampoline_lowered:
0x8: {  	[smem:$0x3FAF] =	sst s0  }
0x9: {  	[smem:$0x3FB0] =	sst s1  }
0xa: {  	[smem:$0x3FB1] =	sst s2  }
0xb: {  	[smem:$0x3FB2] =	sst s3  }
0xc: {  	[smem:$0x3FB3] =	sst s4  }
0xd: {  	[smem:$0x3FB4] =	sst s5  }
0xe: {  	[smem:$0x3FB5] =	sst s6  }
0xf: {  	[smem:$0x3FB6] =	sst s7  }
0x10: {  	[smem:$0x3FB7] =	sst s8  }
0x11: {  	[smem:$0x3FB8] =	sst s9;
	s0 =	simm.s32 @!p0 $0x0  }
0x12: {  	s1 =	sld [smem:$0x3F9E];
	s0 =	simm.s32 @p0 $0x1  }
0x13: {  	[smem:$0x3FB9] =	sst s0;
	s0 =	simm.s32 @!p1 $0x0  }
0x14: {  	s2 =	sld [smem:$0x3F9D];
	s0 =	simm.s32 @p1 $0x1  }
0x15: {  	[smem:$0x3FBA] =	sst s0;
	s0 =	simm.s32 @!p2 $0x0  }
0x16: {  	s3 =	sld [smem:$0x3FDB];
	s0 =	simm.s32 @p2 $0x1  }
0x17: {  	s4 =	simm.s32 $0x1BF5;
	[smem:$0x3FBC] =	sst s0  }
0x18: {  	s0 =	sld [smem:$0x3F9F];
	_ =	swait.ge [sflag:s4], $0x0  }
0x19: {  	s7 =	sld [smem:$0x3FA0]  }
0x1a: {  	s8 =	sadd.s32 $0xFFFFE003, lr  }
0x1b: {  	s9 =	sadd.s32 $0xFFFFFEF7, lr;
	s5 =	simm.s32 $0xFFFFFFFF;
	p2 =	slt.u32 s8, $0xFFFFF086  }
0x1c: {  	p1 =	slt.u32 s9, $0xF7A;
	s5 =	simm.s32 @!p2 $0x0  }
0x1d: {  	s5 =	simm.s32 @p1 $0x1;
	p0 =	seq.s32 s7, s2  }
0x1e: {  	s7 =	smul.u32 @!p0 $0xF7A, s2;
	p2 =	seq.s32 @!p0 s5, $0x0  }
0x1f: {  	s9 =	smul.u32 $0xF7A, s1;
	s8 =	simm.s32 @!p0 $0x1BF5;
	p2 =	por !p2, p0  }
0x20: {  	[sflag:s8] =	ssyncset.s32 @!p0 $0xFFFFF086;
	s6 =	sadd.s32 @!p0 s3, s7;
	s7 =	simm.s32 @!p0 $0x108  }
0x21: {  	s3 =	sadd.s32 s3, s9;
	s6 =	sadd.s32 @!p0 $0x88, s6;
	s7 =	simm.s32 @p2 $0x1082  }
0x22: {  	[simem:s7], [sflag:s8] =	dma.local @!p0 [hbm:s6], $0xF7A  }
0x23: {  	s9 =	sor.u32 $0xD0000000, s2;
	s6 =	simm.s32 $0x108;
	_ =	swait.ge @!p0 [sflag:s8], $0x0  }
0x24: {  	s3 =	sadd.s32 $0x88, s3;
	s6 =	simm.s32 @!p1 $0x1082;
	[sflag:s4] =	ssyncset.s32 $0xFFFFF086  }
0x25: {  	[simem:s6], [sflag:s4] =	dma.local [hbm:s3], $0xF7A  }
0x26: {  	[smem:$0x3FA0] =	sst s1;
	(tag) =	ssettag s2;
	_ =	strace s9  }
0x27: {  	s1 =	sld [smem:$0x3FB0]  }
0x28: {  	s2 =	sld [smem:$0x3FB1]  }
0x29: {  	s4 =	sld [smem:$0x3FB3]  }
0x2a: {  	p0 =	seq.s32 s5, $0x0;
	s5 =	sld [smem:$0x3FB4]  }
0x2b: {  	s6 =	sld [smem:$0x3FB5]  }
0x2c: {  	s7 =	sld [smem:$0x3FB6]  }
0x2d: {  	s3 =	simm.s32 $0x108;
	s8 =	sld [smem:$0x3FB7]  }
0x2e: {  	s3 =	simm.s32 @!p0 $0x1082;
	s9 =	sld [smem:$0x3FB8]  }
0x2f: {  	lr =	sadd.s32 s0, s3;
	s0 =	sld [smem:$0x3FAF]  }
0x30: {  	s3 =	sld [smem:$0x3FB2]  }
0x31: {  	[smem:$0x3FBB] =	sst s10  }
0x32: {  	s10 =	sld [smem:$0x3FB9];
	_ =	sdelay $0x3  }
0x33: {  	p0 =	seq.s32 s10, $0x1;
	s10 =	sld [smem:$0x3FBB];
	_ =	sdelay $0x3  }
0x34: {  	[smem:$0x3FBB] =	sst s10  }
0x35: {  	s10 =	sld [smem:$0x3FBA];
	_ =	sdelay $0x3  }
0x36: {  	p1 =	seq.s32 s10, $0x1;
	s10 =	sld [smem:$0x3FBB];
	_ =	sdelay $0x3  }
0x37: {  	[smem:$0x3FBB] =	sst s10  }
0x38: {  	s10 =	sld [smem:$0x3FBC]  }
0x39: {  	_ = 	snop;
	(pc) =	sbr.ind lr, $3  }
0x3a: {  	_ = 	snop  }
0x3b: {  	_ = 	snop  }
0x3c: {  	p2 =	seq.s32 s10, $0x1;
	s10 =	sld [smem:$0x3FBB]  }
0x3d: {  	_ =	shalt  }
0x3e: {  	_ =	shalt  }
0x3f: {  	_ =	shalt  }
0x40: {  	_ =	shalt  }
0x41: {  	_ =	shalt  }
0x42: {  	_ =	shalt  }
0x43: {  	_ =	shalt  }
0x44: {  	_ =	shalt  }
0x45: {  	_ =	shalt  }
0x46: {  	_ =	shalt  }
0x47: {  	_ =	shalt  }
0x48: {  	_ =	shalt  }
0x49: {  	_ =	shalt  }
0x4a: {  	_ =	shalt  }
0x4b: {  	_ =	shalt  }
0x4c: {  	_ =	shalt  }
0x4d: {  	_ =	shalt  }
0x4e: {  	_ =	shalt  }
0x4f: {  	_ =	shalt  }
0x50: {  	_ =	shalt  }
0x51: {  	_ =	shalt  }
0x52: {  	_ =	shalt  }
0x53: {  	_ =	shalt  }
0x54: {  	_ =	shalt  }
0x55: {  	_ =	shalt  }
0x56: {  	_ =	shalt  }
0x57: {  	_ =	shalt  }
0x58: {  	_ =	shalt  }
0x59: {  	_ =	shalt  }
0x5a: {  	_ =	shalt  }
0x5b: {  	_ =	shalt  }
0x5c: {  	_ =	shalt  }
0x5d: {  	_ =	shalt  }
0x5e: {  	_ =	shalt  }
0x5f: {  	_ =	shalt  }
0x60: {  	_ =	shalt  }
0x61: {  	_ =	shalt  }
0x62: {  	_ =	shalt  }
0x63: {  	_ =	shalt  }
0x64: {  	_ =	shalt  }
0x65: {  	_ =	shalt  }
0x66: {  	_ =	shalt  }
0x67: {  	_ =	shalt  }
0x68: {  	_ =	shalt  }
0x69: {  	_ =	shalt  }
0x6a: {  	_ =	shalt  }
0x6b: {  	_ =	shalt  }
0x6c: {  	_ =	shalt  }
0x6d: {  	_ =	shalt  }
0x6e: {  	_ =	shalt  }
0x6f: {  	_ =	shalt  }
0x70: {  	_ =	shalt  }
0x71: {  	_ =	shalt  }
0x72: {  	_ =	shalt  }
0x73: {  	_ =	shalt  }
0x74: {  	_ =	shalt  }
0x75: {  	_ =	shalt  }
0x76: {  	_ =	shalt  }
0x77: {  	_ =	shalt  }
0x78: {  	_ =	shalt  }
0x79: {  	_ =	shalt  }
0x7a: {  	_ =	shalt  }
0x7b: {  	_ =	shalt  }
0x7c: {  	_ =	shalt  }
0x7d: {  	_ =	shalt  }
0x7e: {  	_ =	shalt  }
0x7f: {  	_ =	shalt  }
0x80: {  	_ =	shalt  }
0x81: {  	_ =	shalt  }
0x82: {  	_ =	shalt  }
0x83: {  	_ =	shalt  }
0x84: {  	_ =	shalt  }
0x85: {  	_ =	shalt  }
0x86: {  	_ =	shalt  }
0x87: {  	_ =	shalt  }
.Lfunc_end0:
.L_simem_size_0:
called_computation_lowered:
.L_overlay_start_0:
0x88: {  	s2 =	sld [smem:$0x3FD9]  }
0x89: {  	s3 =	sld [smem:$0x3FFE];
	_ =	sdelay $0x1  }
0x8a: {  	s1 =	srdreg.scid  }
0x8b: {  	s0 =	sand.u32 $0x1, s1  }
0x8c: {  	s18 =	sshll.u32 s0, $0xA;
	s2 =	sadd.s32 s3, s2  }
0x8d: {  	s2 =	sadd.s32 s2, s18  }
0x8e: {  	[smem:$0x3FC7] =	sst s2  }
0x8f: {  	_ = 	snop  }
0x90: {  	s2 =	sld [smem:$0x3FC9]  }
0x91: {  	s19 =	sld [smem:$0x3FD0];
	(tm) =	ssettm $0x1  }
0x92: {  	s4 =	sld [smem:$0x3FFB];
	_ =	sdelay $0x3  }
0x93: {  	_ =	strace s4  }
0x94: {  	s4 =	sld [smem:$0x3FFC];
	_ =	sdelay $0x3  }
0x95: {  	_ =	strace s4  }
0x96: {  	s4 =	sld [smem:$0x3FFD];
	_ =	sdelay $0x3  }
0x97: {  	_ =	strace s4  }
0x98: {  	_ =	strace $0x8FFFFFFF  }
0x99: {  	s20 =	sld [smem:$0x3FDB];
	_ =	sdelay $0x1  }
0x9a: {  	s5 =	simm.s32 $_scs_section_size  }
0x9b: {  	s6 =	simm.s32 $_size__tile_overlayer_lowered;
	s7 =	simm.s32 $_tile_overlayer_lowered  }
0x9c: {  	s23 =	simm.s32 $0x1BFF;
	s22 =	sshll.u32 s7, $0x1;
	s4 =	sadd.s32 s5, s20  }
0x9d: {  	s8 =	simm.s32 $0x0;
	s21 =	sshll.u32 s6, $0x1;
	s6 =	sadd.s32 s22, s4  }
0x9e: {  	[timem:s8], [sflag:s23] =	dma.local [hbm:s6], s21  }
0x9f: {  	_ =	swait.ge [sflag:s23], s21  }
0xa0: {  	s5 =	ssub.s32 $0x0, s21;
	[sflag:s23] =	ssyncset.done $0x0  }
0xa1: {  	[sflag:s23] =	ssyncadd.s32 s5;
	_ =	sdelay $0x1  }
0xa2: {  	s24 =	simm.s32 $0x1B8B  }
0xa3: {  	_ =	swait.ge [sflag:s24], $0x1  }
0xa4: {  	[sflag:s24] =	ssyncset.done $0x0  }
0xa5: {  	s25 =	simm.s32 $0x1B8E;
	[sflag:s24] =	ssyncadd.s32 $0xFFFFFFFF  }
0xa6: {  	s26 =	simm.s32 $execute0_lowered;
	[smem:$0x3FD2] =	sst s25  }
0xa7: {  	s5 =	sshll.u32 s26, $0x1;
	_ =	strace $0x80000046;
	[dreg:$0x1] =	wrdreg $0xFFFFFFFF  }
0xa8: {  	s28 =	simm.s32 $_size_execute0_lowered;
	s4 =	sadd.s32 s4, s5;
	[dreg:$0x0] =	wrdreg $0x0  }
0xa9: {  	s5 =	sshll.u32 s28, $0x1;
	[dreg:$0x2] =	wrdreg s4  }
0xaa: {  	[dreg:$0x3] =	wrdreg s5  }
0xab: {  	[dreg:$0x4] =	wrdreg $0xC0  }
0xac: {  	_ =	task [dreg:s8], $0x5FFFF  }
0xad: {  	[dreg:$0x1] =	wrdreg $0xFFFFFFFF  }
0xae: {  	[dreg:$0x0] =	wrdreg $0x60  }
0xaf: {  	[dreg:$0x2] =	wrdreg s2  }
0xb0: {  	[dreg:$0x3] =	wrdreg s19  }
0xb1: {  	[dreg:$0x4] =	wrdreg $0x2A000  }
0xb2: {  	[dreg:$0x5] =	wrdreg $0x9  }
0xb3: {  	_ =	task.clear_ibuf [dreg:s8], $0x6FFFF;
	_ =	strace $0x90000046  }
0xb4: {  	s29 =	simm.s32 $0x9;
	_ =	strace $0x80000048  }
0xb5: {  	_ =	swait.ge [sflag:s29], $0x1  }
0xb6: {  	[sflag:s29] =	ssyncadd.s32 $0xFFFFFFFF  }
0xb7: {  	_ =	strace $0x90000048  }
0xb8: {  	_ =	sfence  }
0xb9: {  	s30 =	sld [smem:$0x0];
	_ =	sdelay $0x2  }
0xba: {  	s31 =	sshll.u32 s1, $0xD;
	s1 =	sshrl.u32 s1, $0x2  }
0xbb: {  	s3 =	sand.u32 $0x4000, s31;
	s1 =	sadd.s32 s1, s30  }
0xbc: {  	s0 =	sor.u32 s3, s0;
	s1 =	sshll.u32 s1, $0x11  }
0xbd: {  	s0 =	sor.u32 s1, s0  }
0xbe: {  	s0 =	sadd.s32 $0x8F2B, s0  }
0xbf: {  	[sflag:s0] =	ssyncadd.remote.s32 $0x1  }
0xc0: {  	_ =	sfence.sel $0xFFFF  }
0xc1: {  	[dreg:$0x0] =	wrdreg $0xFFFFFFFF;
	(pc) =	sbr.abs _section_cstart, $3  }
0xc2: {  	[dreg:$0x1] =	wrdreg $0xFFFFFFFF  }
0xc3: {  	_ =	task.clear_ibuf [dreg:s8], $0x2FFFF;
	_ =	strace $0x9FFFFFFF  }
0xc4: {  	(tm) =	ssettm $0x7FFFFFFF  }
0xc5: {  	_ =	shalt  }
tec
execute0_lowered:
.L_overlay_start_1:
0x0: {  	(tag) =	ssettag $0x1  }
0x1: {  	s1 =	rddreg [dreg:$0x0]  }
0x2: {  	s0 =	rddreg [dreg:$0x1]  }
0x3: {  	s3 =	rddreg [dreg:$0x2];
	s4 =	simm.s32 $0x0  }
0x4: {  	s10 =	stileid.u32;
	s2 =	srdreg.scid;
	s28 =	simm.s32 $0x9  }
0x5: {  	s29 =	simm.s32 $0x80;
	s30 =	simm.s32 $0x100;
	s5 =	smul.u32 $0x4E000, s10  }
0x6: {  	s31 =	simm.s32 $0x180;
	[smem:$0x7FF] =	sst s4;
	s16 =	smul.u32 $0x13800, s10  }
0x7: {  	s2 =	sand.u32 $0x1, s2;
	s14 =	sadd.s32 $0x138000, s3;
	s18 =	smul.u32 $0x2710, s10  }
0x8: {  	p0 =	sne.s32 s10, $0xF;
	_ =	strace $0x80000047;
	s6 =	ssub.s32 $0x2, s2  }
0x9: {  	s7 =	sshll.u32 s2, $0x4;
	s12 =	smul.u32 $0x138800, s2;
	s5 =	sshrl.u32 s5, $0x2  }
0xa: {  	s2 =	smul.u32 $0x27100, s2;
	s8 =	sshrl.u32 s6, $0x1;
	s5 =	sadd.s32 s5, s3  }
0xb: {  	s7 =	sor.u32 s10, s7;
	s10 =	simm.s32 $0x6;
	s22 =	sadd.s32 $0x2800, s5  }
0xc: {  	s6 =	ssub.s32 s6, s8;
	s23 =	sadd.s32 $0x5000, s5;
	[dreg:$0x4] =	wrdreg s22  }
0xd: {  	s7 =	smul.u32 $0x2710, s7;
	s24 =	sadd.s32 $0x7800, s5;
	[dreg:$0x5] =	wrdreg s23  }
0xe: {  	s8 =	sadd.s32 s16, s12;
	s25 =	sadd.s32 $0xA000, s5;
	[dreg:$0x6] =	wrdreg s24  }
0xf: {  	s19 =	sadd.s32 s18, s2;
	s26 =	sadd.s32 $0xC800, s5;
	[dreg:$0x7] =	wrdreg s25  }
0x10: {  	s9 =	sadd.s32 $0xF000, s5;
	s11 =	sadd.s32 $0x11800, s5;
	[dreg:$0x8] =	wrdreg s26  }
0x11: {  	s8 =	sshrl.u32 s8, $0x3;
	s21 =	smax.u32 s6, $0x1;
	[dreg:$0x9] =	wrdreg s9  }
0x12: {  	s2 =	sadd.s32 $0x230, s19;
	s7 =	sshrl.u32 s7, $0x3;
	[dreg:$0xa] =	wrdreg s11  }
0x13: {  	s24 =	sadd.s32 $0x1E0, s19;
	s2 =	sshrl.u32 s2, $0x3;
	s25 =	sadd.s32 $0x190, s19  }
0x14: {  	s13 =	sadd.s32 s1, s7;
	s7 =	sshrl.u32 s12, $0x3;
	s6 =	sshrl.u32 s24, $0x3  }
0x15: {  	s22 =	sadd.s32 s2, s1;
	s26 =	sshrl.u32 s25, $0x3;
	s25 =	sadd.s32 $0x140, s19  }
0x16: {  	s2 =	simm.s32 $0x50;
	s12 =	simm.s32 $0x8;
	s15 =	sadd.s32 $0xA, s13  }
0x17: {  	s9 =	sadd.s32 $0x14, s13;
	s17 =	sadd.s32 $0x1E, s13;
	[dreg:$0xb] =	wrdreg s15  }
0x18: {  	s11 =	sadd.s32 $0x4D8, s13;
	s7 =	sadd.s32 s0, s7;
	[dreg:$0xc] =	wrdreg s9  }
0x19: {  	s0 =	sadd.s32 s0, s8;
	s23 =	sadd.s32 s6, s1;
	[dreg:$0xd] =	wrdreg s17  }
0x1a: {  	s24 =	sadd.s32 s26, s1;
	s26 =	simm.s32 $0x200;
	[dreg:$0xe] =	wrdreg s11  }
0x1b: {  	s6 =	simm.s32 $0x2;
	s8 =	simm.s32 $0x4;
	[dreg:$0xf] =	wrdreg s0  }
0x1c: {  	s20 =	sadd.s32 $0x27000, s7;
	s0 =	simm.s32 $0x1;
	s7 =	simm.s32 $0x3  }
0x1d: {  	v0 =	vimm.f32 $0.0e+00;
	v1 =	vimm.f32 $1.000000000e+00;
	s9 =	simm.s32 $0x5;
	s11 =	simm.s32 $0x7;
	s15 =	simm.s32 $0x0  }
.LBB2_1:
0x1e: {  	s16 =	simm.s32 $0x0;
	s17 =	simm.s32 $0x200  }
.LBB2_2:
0x1f: {  	p1 =	sne.s32 s17, $0x9E00;
	[tilespmem:s16+$0x270] =	vst v0  }
0x20: {  	[tilespmem:s16+$0x200] =	vst v0  }
0x21: {  	[tilespmem:s16+$0x210] =	vst v0  }
.Ltmp0:
0x22: {  	[tilespmem:s16+$0x220] =	vst v0;
	(pc) =	sbr.rel @p1 .LBB2_2-.Ltmp0, $4  }
0x23: {  	[tilespmem:s16+$0x230] =	vst v0  }
0x24: {  	[tilespmem:s16+$0x240] =	vst v0  }
0x25: {  	[tilespmem:s16+$0x250] =	vst v0  }
0x26: {  	[tilespmem:s16+$0x260] =	vst v0;
	s16 =	sshra.s32 s17, $0x2;
	s17 =	sadd.s32 $0x200, s17  }
0x27: {  	[tilespmem:s16+$0x270] =	vst v0  }
0x28: {  	[tilespmem:s16+$0x200] =	vst v0  }
0x29: {  	[tilespmem:s16+$0x210] =	vst v0  }
0x2a: {  	[tilespmem:s16+$0x220] =	vst v0  }
0x2b: {  	[tilespmem:s16+$0x230] =	vst v0  }
0x2c: {  	[tilespmem:s16+$0x240] =	vst v0  }
0x2d: {  	[tilespmem:s16+$0x250] =	vst v0  }
0x2e: {  	[tilespmem:s16+$0x260] =	vst v0  }
0x2f: {  	[spmem:s5] =	stream.linear.scatter [tilespmem:s26], [sflag:$0x9], $0x2800, $0x38;
	[tilespmem:$0x16280] =	vst v63  }
0x30: {  	_ =	swait.ge [sflag:s28], $0x2800  }
0x31: {  	[sflag:s28] =	ssyncset.done $0x0  }
0x32: {  	s19 =	rddreg [dreg:$0x4];
	[sflag:s28] =	ssyncadd.s32 $0xFFFFD800  }
0x33: {  	[spmem:s19] =	stream.linear.scatter [tilespmem:s26], [sflag:$0x9], $0x2800, $0x38;
	[tilespmem:$0x16280] =	vst v63  }
0x34: {  	_ =	swait.ge [sflag:s28], $0x2800  }
0x35: {  	[sflag:s28] =	ssyncset.done $0x0  }
0x36: {  	s17 =	rddreg [dreg:$0x5];
	[sflag:s28] =	ssyncadd.s32 $0xFFFFD800  }
0x37: {  	[spmem:s17] =	stream.linear.scatter [tilespmem:s26], [sflag:$0x9], $0x2800, $0x38;
	[tilespmem:$0x16280] =	vst v63  }
0x38: {  	_ =	swait.ge [sflag:s28], $0x2800  }
0x39: {  	[sflag:s28] =	ssyncset.done $0x0  }
0x3a: {  	s18 =	rddreg [dreg:$0x6];
	[sflag:s28] =	ssyncadd.s32 $0xFFFFD800  }
0x3b: {  	[spmem:s18] =	stream.linear.scatter [tilespmem:s26], [sflag:$0x9], $0x2800, $0x38;
	[tilespmem:$0x16280] =	vst v63  }
0x3c: {  	_ =	swait.ge [sflag:s28], $0x2800  }
0x3d: {  	[sflag:s28] =	ssyncset.done $0x0  }
0x3e: {  	s19 =	rddreg [dreg:$0x7];
	[sflag:s28] =	ssyncadd.s32 $0xFFFFD800  }
0x3f: {  	[spmem:s19] =	stream.linear.scatter [tilespmem:s26], [sflag:$0x9], $0x2800, $0x38;
	[tilespmem:$0x16280] =	vst v63  }
0x40: {  	_ =	swait.ge [sflag:s28], $0x2800  }
0x41: {  	[sflag:s28] =	ssyncset.done $0x0  }
0x42: {  	s17 =	rddreg [dreg:$0x8];
	[sflag:s28] =	ssyncadd.s32 $0xFFFFD800  }
0x43: {  	[spmem:s17] =	stream.linear.scatter [tilespmem:s26], [sflag:$0x9], $0x2800, $0x38;
	[tilespmem:$0x16280] =	vst v63  }
0x44: {  	_ =	swait.ge [sflag:s28], $0x2800  }
0x45: {  	[sflag:s28] =	ssyncset.done $0x0  }
0x46: {  	s18 =	rddreg [dreg:$0x9];
	[sflag:s28] =	ssyncadd.s32 $0xFFFFD800  }
0x47: {  	[spmem:s18] =	stream.linear.scatter [tilespmem:s26], [sflag:$0x9], $0x2800, $0x38;
	[tilespmem:$0x16280] =	vst v63  }
0x48: {  	_ =	swait.ge [sflag:s28], $0x2800  }
0x49: {  	[sflag:s28] =	ssyncset.done $0x0  }
0x4a: {  	s19 =	rddreg [dreg:$0xa];
	[sflag:s28] =	ssyncadd.s32 $0xFFFFD800  }
0x4b: {  	[spmem:s19] =	stream.linear.scatter [tilespmem:s26], [sflag:$0x9], $0x2000, $0x38;
	[tilespmem:$0x16280] =	vst v63  }
0x4c: {  	_ =	swait.ge [sflag:s28], $0x2000  }
0x4d: {  	[sflag:s28] =	ssyncset.done $0x0  }
0x4e: {  	s16 =	simm.s32 @!p0 $0x200;
	[sflag:s28] =	ssyncadd.s32 $0xFFFFE000  }
0x4f: {  	[spmem:s14] =	stream.linear.scatter @!p0 [tilespmem:s16], [sflag:$0x9], $0x800, $0x38;
	[tilespmem:$0x16280] =	vst v63  }
0x50: {  	s16 =	simm.s32 @!p0 $0x9  }
0x51: {  	_ =	swait.ge @!p0 [sflag:s16], $0x800  }
0x52: {  	[sflag:s16] =	ssyncset.done @!p0 $0x0  }
0x53: {  	[sflag:s16] =	ssyncadd.s32 @!p0 $0xFFFFF800  }
0x54: {  	s17 =	simm.s32 $0x200;
	s16 =	simm.s32 $0x0;
	[bflag:$0x0] =	sbarrier.arrive $0xFFFF  }
.LBB2_4:
0x55: {  	p1 =	sne.s32 s17, $0x9E00;
	[tilespmem:s16+$0x270] =	vst v1  }
0x56: {  	[tilespmem:s16+$0x200] =	vst v1  }
0x57: {  	[tilespmem:s16+$0x210] =	vst v1  }
.Ltmp1:
0x58: {  	[tilespmem:s16+$0x220] =	vst v1;
	(pc) =	sbr.rel @p1 .LBB2_4-.Ltmp1, $4  }
0x59: {  	[tilespmem:s16+$0x230] =	vst v1  }
0x5a: {  	[tilespmem:s16+$0x240] =	vst v1  }
0x5b: {  	[tilespmem:s16+$0x250] =	vst v1  }
0x5c: {  	[tilespmem:s16+$0x260] =	vst v1;
	s16 =	sshra.s32 s17, $0x2;
	s17 =	sadd.s32 $0x200, s17  }
0x5d: {  	[tilespmem:s16+$0x270] =	vst v1  }
0x5e: {  	[tilespmem:s16+$0x200] =	vst v1  }
0x5f: {  	[tilespmem:s16+$0x210] =	vst v1  }
0x60: {  	[tilespmem:s16+$0x220] =	vst v1  }
0x61: {  	[tilespmem:s16+$0x230] =	vst v1  }
0x62: {  	[tilespmem:s16+$0x240] =	vst v1  }
0x63: {  	[tilespmem:s16+$0x250] =	vst v1  }
0x64: {  	[tilespmem:s16+$0x260] =	vst v1;
	s16 =	simm.s32 $0x0  }
0x65: {  	[tilespmem:s16], [sflag:$0x1] =	stream.linear.gather [hbm4b:s13+s16], $0x50, $0x38;
	[tilespmem:$0x16280] =	vst v63  }
0x66: {  	s17 =	rddreg [dreg:$0xb]  }
0x67: {  	[tilespmem:s29], [sflag:$0x2] =	stream.linear.gather [hbm4b:s17+s16], $0x50, $0x38;
	[tilespmem:$0x16280] =	vst v63  }
0x68: {  	s18 =	rddreg [dreg:$0xc]  }
0x69: {  	[tilespmem:s30], [sflag:$0x3] =	stream.linear.gather [hbm4b:s18+s16], $0x50, $0x38;
	[tilespmem:$0x16280] =	vst v63  }
0x6a: {  	s19 =	rddreg [dreg:$0xd]  }
0x6b: {  	[tilespmem:s31], [sflag:$0x4] =	stream.linear.gather [hbm4b:s19+s16], $0x50, $0x38;
	[tilespmem:$0x16280] =	vst v63  }
0x6c: {  	_ =	swait.ge [sflag:s0], $0x50  }
0x6d: {  	[sflag:s0] =	ssyncset.done $0x0  }
0x6e: {  	[sflag:s0] =	ssyncadd.s32 $0xFFFFFFB0  }
0x6f: {  	[spmem:s3] =	stream.indirect.scatter.add.f32 [tilespmem:s26], [sflag:$0x5], $0x80, s4, s2, $0xb8;
	[tilespmem:$0x16280] =	vst v63  }
0x70: {  	_ =	swait.ge [sflag:s6], $0x50  }
0x71: {  	[sflag:s6] =	ssyncset.done $0x0  }
0x72: {  	[sflag:s6] =	ssyncadd.s32 $0xFFFFFFB0  }
0x73: {  	[spmem:s3] =	stream.indirect.scatter.add.f32 [tilespmem:s26], [sflag:$0x6], $0x80, s29, s2, $0xb8;
	[tilespmem:$0x16280] =	vst v63  }
0x74: {  	_ =	swait.ge [sflag:s7], $0x50  }
0x75: {  	[sflag:s7] =	ssyncset.done $0x0  }
0x76: {  	[sflag:s7] =	ssyncadd.s32 $0xFFFFFFB0  }
0x77: {  	[spmem:s3] =	stream.indirect.scatter.add.f32 [tilespmem:s26], [sflag:$0x7], $0x80, s30, s2, $0xb8;
	[tilespmem:$0x16280] =	vst v63  }
0x78: {  	_ =	swait.ge [sflag:s8], $0x50  }
0x79: {  	[sflag:s8] =	ssyncset.done $0x0  }
0x7a: {  	[sflag:s8] =	ssyncadd.s32 $0xFFFFFFB0  }
0x7b: {  	[spmem:s3] =	stream.indirect.scatter.add.f32 [tilespmem:s26], [sflag:$0x8], $0x80, s31, s2, $0xb8;
	[tilespmem:$0x16280] =	vst v63  }
0x7c: {  	_ =	swait.ge [sflag:s9], $0x2800  }
0x7d: {  	s17 =	sshrl.u32 s25, $0x3;
	[sflag:s9] =	ssyncset.done $0x0  }
0x7e: {  	s16 =	sadd.s32 s1, s17;
	[sflag:s9] =	ssyncadd.s32 $0xFFFFD800  }
0x7f: {  	[tilespmem:s4], [sflag:$0x1] =	stream.linear.gather [hbm4b:s16+s4], $0x50, $0x38;
	[tilespmem:$0x16280] =	vst v63  }
0x80: {  	_ =	swait.ge [sflag:s10], $0x2800  }
0x81: {  	[sflag:s10] =	ssyncset.done $0x0  }
0x82: {  	s18 =	sadd.s32 $0x0, s24;
	[sflag:s10] =	ssyncadd.s32 $0xFFFFD800  }
0x83: {  	[tilespmem:s29], [sflag:$0x2] =	stream.linear.gather [hbm4b:s18+s4], $0x50, $0x38;
	[tilespmem:$0x16280] =	vst v63  }
0x84: {  	_ =	swait.ge [sflag:s11], $0x2800  }
0x85: {  	[sflag:s11] =	ssyncset.done $0x0  }
0x86: {  	s19 =	sadd.s32 $0x0, s23;
	[sflag:s11] =	ssyncadd.s32 $0xFFFFD800  }
0x87: {  	[tilespmem:s30], [sflag:$0x3] =	stream.linear.gather [hbm4b:s19+s4], $0x50, $0x38;
	[tilespmem:$0x16280] =	vst v63  }
0x88: {  	_ =	swait.ge [sflag:s12], $0x2800  }
0x89: {  	s17 =	sadd.s32 $0x140, s25;
	[sflag:s12] =	ssyncset.done $0x0  }
0x8a: {  	s16 =	simm.s32 $0x28;
	s18 =	sadd.s32 $0x0, s22;
	[sflag:s12] =	ssyncadd.s32 $0xFFFFD800  }
.LBB2_6:
0x8b: {  	[tilespmem:s31], [sflag:$0x4] =	stream.linear.gather [hbm4b:s18+s4], $0x50, $0x38;
	[tilespmem:$0x16280] =	vst v63  }
0x8c: {  	s18 =	smov.u32 s16  }
0x8d: {  	p1 =	sne.s32 s16, $0x488;
	s16 =	sadd.s32 $0x28, s16;
	_ =	swait.ge [sflag:s0], $0x50  }
0x8e: {  	[sflag:s0] =	ssyncset.done $0x0  }
0x8f: {  	[sflag:s0] =	ssyncadd.s32 $0xFFFFFFB0  }
0x90: {  	[spmem:s3] =	stream.indirect.scatter.add.f32 [tilespmem:s26], [sflag:$0x5], $0x80, s4, s2, $0xb8;
	[tilespmem:$0x16280] =	vst v63  }
0x91: {  	_ =	swait.ge [sflag:s6], $0x50  }
0x92: {  	[sflag:s6] =	ssyncset.done $0x0  }
0x93: {  	[sflag:s6] =	ssyncadd.s32 $0xFFFFFFB0  }
0x94: {  	[spmem:s3] =	stream.indirect.scatter.add.f32 [tilespmem:s26], [sflag:$0x6], $0x80, s29, s2, $0xb8;
	[tilespmem:$0x16280] =	vst v63  }
0x95: {  	_ =	swait.ge [sflag:s7], $0x50  }
0x96: {  	[sflag:s7] =	ssyncset.done $0x0  }
0x97: {  	[sflag:s7] =	ssyncadd.s32 $0xFFFFFFB0  }
0x98: {  	[spmem:s3] =	stream.indirect.scatter.add.f32 [tilespmem:s26], [sflag:$0x7], $0x80, s30, s2, $0xb8;
	[tilespmem:$0x16280] =	vst v63  }
0x99: {  	_ =	swait.ge [sflag:s8], $0x50  }
0x9a: {  	[sflag:s8] =	ssyncset.done $0x0  }
0x9b: {  	[sflag:s8] =	ssyncadd.s32 $0xFFFFFFB0  }
0x9c: {  	[spmem:s3] =	stream.indirect.scatter.add.f32 [tilespmem:s26], [sflag:$0x8], $0x80, s31, s2, $0xb8;
	[tilespmem:$0x16280] =	vst v63  }
0x9d: {  	_ =	swait.ge [sflag:s9], $0x2800  }
0x9e: {  	s19 =	sshrl.u32 s17, $0x3;
	[sflag:s9] =	ssyncset.done $0x0  }
0x9f: {  	s19 =	sadd.s32 s1, s19;
	[sflag:s9] =	ssyncadd.s32 $0xFFFFD800  }
0xa0: {  	[tilespmem:s4], [sflag:$0x1] =	stream.linear.gather [hbm4b:s19+s4], $0x50, $0x38;
	[tilespmem:$0x16280] =	vst v63  }
0xa1: {  	_ =	swait.ge [sflag:s10], $0x2800  }
0xa2: {  	[sflag:s10] =	ssyncset.done $0x0  }
0xa3: {  	s19 =	sadd.s32 s18, s24;
	[sflag:s10] =	ssyncadd.s32 $0xFFFFD800  }
0xa4: {  	[tilespmem:s29], [sflag:$0x2] =	stream.linear.gather [hbm4b:s19+s4], $0x50, $0x38;
	[tilespmem:$0x16280] =	vst v63  }
0xa5: {  	_ =	swait.ge [sflag:s11], $0x2800  }
0xa6: {  	[sflag:s11] =	ssyncset.done $0x0  }
.Ltmp2:
0xa7: {  	s19 =	sadd.s32 s18, s23;
	[sflag:s11] =	ssyncadd.s32 $0xFFFFD800;
	(pc) =	sbr.rel @p1 .LBB2_6-.Ltmp2, $4  }
0xa8: {  	[tilespmem:s30], [sflag:$0x3] =	stream.linear.gather [hbm4b:s19+s4], $0x50, $0x38;
	[tilespmem:$0x16280] =	vst v63  }
0xa9: {  	_ =	swait.ge [sflag:s12], $0x2800  }
0xaa: {  	[sflag:s12] =	ssyncset.done $0x0  }
0xab: {  	s17 =	sadd.s32 $0x140, s17;
	s18 =	sadd.s32 s18, s22;
	[sflag:s12] =	ssyncadd.s32 $0xFFFFD800  }
0xac: {  	[tilespmem:s31], [sflag:$0x4] =	stream.linear.gather [hbm4b:s18+s4], $0x50, $0x38;
	[tilespmem:$0x16280] =	vst v63  }
0xad: {  	_ =	swait.ge [sflag:s0], $0x50  }
0xae: {  	[sflag:s0] =	ssyncset.done $0x0  }
0xaf: {  	[sflag:s0] =	ssyncadd.s32 $0xFFFFFFB0  }
0xb0: {  	[spmem:s3] =	stream.indirect.scatter.add.f32 [tilespmem:s26], [sflag:$0x5], $0x80, s4, s2, $0xb8;
	[tilespmem:$0x16280] =	vst v63  }
0xb1: {  	_ =	swait.ge [sflag:s6], $0x50  }
0xb2: {  	[sflag:s6] =	ssyncset.done $0x0  }
0xb3: {  	[sflag:s6] =	ssyncadd.s32 $0xFFFFFFB0  }
0xb4: {  	[spmem:s3] =	stream.indirect.scatter.add.f32 [tilespmem:s26], [sflag:$0x6], $0x80, s29, s2, $0xb8;
	[tilespmem:$0x16280] =	vst v63  }
0xb5: {  	_ =	swait.ge [sflag:s7], $0x50  }
0xb6: {  	[sflag:s7] =	ssyncset.done $0x0  }
0xb7: {  	[sflag:s7] =	ssyncadd.s32 $0xFFFFFFB0  }
0xb8: {  	[spmem:s3] =	stream.indirect.scatter.add.f32 [tilespmem:s26], [sflag:$0x7], $0x80, s30, s2, $0xb8;
	[tilespmem:$0x16280] =	vst v63  }
0xb9: {  	_ =	swait.ge [sflag:s8], $0x50  }
0xba: {  	[sflag:s8] =	ssyncset.done $0x0  }
0xbb: {  	[sflag:s8] =	ssyncadd.s32 $0xFFFFFFB0  }
0xbc: {  	[spmem:s3] =	stream.indirect.scatter.add.f32 [tilespmem:s26], [sflag:$0x8], $0x80, s31, s2, $0xb8;
	[tilespmem:$0x16280] =	vst v63  }
0xbd: {  	_ =	swait.ge [sflag:s9], $0x2800  }
0xbe: {  	[sflag:s9] =	ssyncset.done $0x0  }
0xbf: {  	[sflag:s9] =	ssyncadd.s32 $0xFFFFD800  }
0xc0: {  	_ =	swait.ge [sflag:s10], $0x2800  }
0xc1: {  	[sflag:s10] =	ssyncset.done $0x0  }
0xc2: {  	[sflag:s10] =	ssyncadd.s32 $0xFFFFD800  }
0xc3: {  	_ =	swait.ge [sflag:s11], $0x2800  }
0xc4: {  	[sflag:s11] =	ssyncset.done $0x0  }
0xc5: {  	[sflag:s11] =	ssyncadd.s32 $0xFFFFD800  }
0xc6: {  	_ =	swait.ge [sflag:s12], $0x2800  }
0xc7: {  	[sflag:s12] =	ssyncset.done $0x0  }
0xc8: {  	s16 =	rddreg [dreg:$0xe];
	[sflag:s12] =	ssyncadd.s32 $0xFFFFD800  }
0xc9: {  	[tilespmem:s4], [sflag:$0x9] =	stream.linear.gather [hbm4b:s16+s4], $0x50, $0x38;
	[tilespmem:$0x16280] =	vst v63  }
0xca: {  	_ =	swait.ge [sflag:s28], $0x50  }
0xcb: {  	[sflag:s28] =	ssyncset.done $0x0  }
0xcc: {  	[sflag:s28] =	ssyncadd.s32 $0xFFFFFFB0  }
0xcd: {  	[spmem:s3] =	stream.indirect.scatter.add.f32 [tilespmem:s26], [sflag:$0x9], $0x80, s4, s2, $0xb8;
	[tilespmem:$0x16280] =	vst v63  }
0xce: {  	_ =	swait.ge [sflag:s28], $0x2800  }
0xcf: {  	[sflag:s28] =	ssyncset.done $0x0  }
0xd0: {  	s18 =	stileid.u32;
	[sflag:s28] =	ssyncadd.s32 $0xFFFFD800  }
0xd1: {  	s16 =	sshll.u32 s18, $0x6;
	[bflag:$0x0] =	sbarrier.arrive $0xFFFF  }
0xd2: {  	s17 =	sshrl.u32 s5, $0x3;
	s16 =	sor.u32 $0x1C09, s16;
	s19 =	rddreg [dreg:$0xf]  }
0xd3: {  	[hbm:s19], [sflag:s16] =	dma.local [spmem:s17], $0x2700  }
0xd4: {  	_ =	swait.ge [sflag:s28], $0x2700  }
0xd5: {  	s15 =	sadd.s32 $0x1, s15;
	[sflag:s28] =	ssyncset.done $0x0  }
0xd6: {  	p1 =	sne.s32 s15, s21;
	s17 =	sshrl.u32 @!p0 s14, $0x3;
	[sflag:s28] =	ssyncadd.s32 $0xFFFFD900  }
0xd7: {  	[hbm:s20], [sflag:s16] =	dma.local @!p0 [spmem:s17], $0x100  }
.Ltmp3:
0xd8: {  	_ = 	snop;
	(pc) =	sbr.rel @p1 .LBB2_1-.Ltmp3, $4  }
0xd9: {  	s16 =	simm.s32 @!p0 $0x9  }
0xda: {  	_ =	swait.ge @!p0 [sflag:s16], $0x100  }
0xdb: {  	[sflag:s16] =	ssyncset.done @!p0 $0x0  }
0xdc: {  	[sflag:s16] =	ssyncadd.s32 @!p0 $0xFFFFFF00  }
0xdd: {  	_ =	sfence.sel $0x180000  }
0xde: {  	[bflag:$0x0] =	sbarrier.arrive $0xFFFF  }
0xdf: {  	_ =	strace $0x90000047  }
0xe0: {  	s0 =	stileid.u32;
	[bflag:$0x2] =	sbarrier.arrive $0xFFFF  }
0xe1: {  	p0 =	sne.s32 s0, $0x0;
	s0 =	rddreg [dreg:$0x3]  }
0xe2: {  	s0 =	sadd.s32 @!p0 $0x100000, s0  }
0xe3: {  	[sflag:s0] =	ssyncadd.tile.s32 @!p0 $0x1;
	_ =	shalt  }
.Lfunc_end2:
_tile_overlayer_lowered:
.L_overlay_start_2:
0xe4: {  	(tag) =	ssettag $0x2  }
0xe5: {  	s0 =	rddreg [dreg:$0x0];
	s2 =	stileid.u32  }
0xe6: {  	s1 =	rddreg [dreg:$0x1];
	p0 =	sne.s32 s2, $0x0  }
0xe7: {  	s3 =	rddreg [dreg:$0x2];
	[bflag:$0x3] =	sbarrier.arrive $0xFFFF;
	s2 =	simm.s32 @!p0 $0x1C09  }
0xe8: {  	[timem:s3], [sflag:s2] =	dma.local @!p0 [hbm:s0], s1  }
0xe9: {  	s0 =	simm.s32 @!p0 $0x9  }
0xea: {  	_ =	swait.ge @!p0 [sflag:s0], s1  }
0xeb: {  	s1 =	ssub.s32 @!p0 $0x0, s1;
	[sflag:s0] =	ssyncset.done @!p0 $0x0  }
0xec: {  	[sflag:s0] =	ssyncadd.s32 @!p0 s1  }
0xed: {  	[bflag:$0x3] =	sbarrier.arrive $0xFFFF  }
0xee: {  	_ =	shalt  }

</sc_bundles>
